<compile_context>
chip_gen: v7x
topology: tpu7x:2x2x1
jax: 0.10.2.dev20260603
libtpu: 0.0.44.dev20260713+nightly
codegen_flags: <defaults>
</compile_context>

<pallas_src>
import functools

import jax
import jax.numpy as jnp
from jax import lax
from jax.experimental import pallas as pl
from jax.experimental.pallas import tpu as pltpu
from jax.experimental.pallas import tpu_sc as plsc

_H = 512
_D = 128
_NC = 2
_NS = 16
_NW = _NC * _NS
_RPW = _H // _NW
_BROWS = 528
_JC = 128
_NCH = _H // _JC
_RING = 2


def _sc_body(w_hbm, x_hbm, out_hbm, band_v, x_v, buf_v, sem):
    wid = lax.axis_index("s") * _NC + lax.axis_index("c")
    i0 = wid * _RPW
    pltpu.sync_copy(w_hbm.at[pl.ds(65520 - i0, _BROWS)], band_v)
    pltpu.sync_copy(x_hbm, x_v)

    def row_loop(ii, carry):
        for cc in range(_NCH):
            par = cc % _RING
            g = ii * _NCH + cc

            @pl.when(g >= _RING)
            def _():
                pltpu.make_async_copy(
                    buf_v.at[par], out_hbm.at[0, pl.ds(0, _JC)], sem).wait()

            j0 = cc * _JC
            base0 = (_RPW - 1 - ii) + j0

            @plsc.parallel_loop(0, _JC, unroll=4)
            def _(j):
                xs = plsc.load_gather(
                    x_v, [jnp.zeros((16,), jnp.int32) + (j0 + j)])
                for dc in range(_D // 16):
                    buf_v[par, j, pl.ds(dc * 16, 16)] = (
                        band_v[base0 + j, pl.ds(dc * 16, 16)] + xs)

            pltpu.make_async_copy(
                buf_v.at[par], out_hbm.at[i0 + ii, pl.ds(j0, _JC)], sem
            ).start()
        return carry

    lax.fori_loop(0, _RPW, row_loop, 0)
    for _r in range(_RING):
        pltpu.make_async_copy(
            buf_v.at[_r], out_hbm.at[0, pl.ds(0, _JC)], sem).wait()


def kernel(x, weight):
    xcol = x.reshape(_H)
    mesh = plsc.VectorSubcoreMesh(core_axis_name="c", subcore_axis_name="s")
    out3 = pl.kernel(
        _sc_body,
        out_type=jax.ShapeDtypeStruct((_H, _H, _D), jnp.float32),
        mesh=mesh,
        compiler_params=pltpu.CompilerParams(needs_layout_passes=False),
        scratch_types=[
            pltpu.VMEM((_BROWS, _D), jnp.float32),
            pltpu.VMEM((_H,), jnp.float32),
            pltpu.VMEM((_RING, _JC, _D), jnp.float32),
            pltpu.SemaphoreType.DMA,
        ],
    )(weight, xcol)
    return out3.reshape(1, _H, 1, _H, _D)

# --- scband reference (transcript-rebuilt; emitter-appended) ---
"""Pipeline reference for scband-relative-positional-embedding-31868657336749 (READ-ONLY COPY).

The authoritative reference and input builder live on the scoring server;
editing this copy changes nothing except your own understanding.
"""

import jax, jax.numpy as jnp
import numpy as np

D_MODEL = 128
HEIGHT_MAX = 256
WIDTH_MAX = 256
NUM_EMB = 2 * (HEIGHT_MAX * WIDTH_MAX) - 1


def setup_inputs(seed: int = 0) -> dict:
    key = jax.random.key(seed)
    k1, k2 = jax.random.split(key)
    x = jax.random.normal(k1, (1, 1, 512, 1), dtype=jnp.float32)
    weight = jax.random.normal(k2, (NUM_EMB, D_MODEL), dtype=jnp.float32)
    return {"x": x, "weight": weight}


def _rel_pos_matrix(height, width):
    range_h = jnp.arange(height)
    range_w = jnp.arange(width)
    dist_h = range_h[None, :] - range_h[:, None]            # [H, H]
    dist_w = range_w[None, :] - range_w[:, None]            # [W, W]
    dist = dist_h[:, :, None, None] + dist_w[None, None, :, :]  # [H, H, W, W]
    clipped = jnp.clip(dist, -HEIGHT_MAX * WIDTH_MAX, HEIGHT_MAX * WIDTH_MAX)
    return clipped + HEIGHT_MAX * WIDTH_MAX - 1


def reference(x, weight):
    batch_size, _, height, width = x.shape
    pos = _rel_pos_matrix(height, width)                    # [H, H, W, W]
    pos = pos.reshape(height, width, -1)                    # [H, W, H*W]
    pos = jnp.tile(pos[None], (batch_size, 1, 1, 1))        # [B, H, W, H*W]
    emb = jnp.take(weight, pos, axis=0)                     # [B, H, W, H*W, d_model]
    return x + emb

if __name__ == "__main__":
    import jax
    _d = setup_inputs()
    print(jax.jit(kernel)(*tuple(_d.values())))

</pallas_src>

<mosaic_0001>
#map = affine_map<(d0, d1) -> (0, 0)>
#map1 = affine_map<(d0, d1) -> (0)>
#map2 = affine_map<(d0, d1) -> (0, 0, 0)>
module attributes {stable_mosaic.version = 14 : i64} {
  func.func @_sc_body(%arg0: i32, %arg1: i32, %arg2: memref<131071x128xf32, #tpu.memory_space<hbm>>, %arg3: memref<512xf32, #tpu.memory_space<hbm>>, %arg4: memref<512x512x128xf32, #tpu.memory_space<hbm>>, %arg5: memref<528x128xf32, #tpu.memory_space<vmem>>, %arg6: memref<512xf32, #tpu.memory_space<vmem>>, %arg7: memref<2x128x128xf32, #tpu.memory_space<vmem>>, %arg8: memref<!tpu.dma_semaphore, #tpu.memory_space<semaphore_mem>>) attributes {dimension_semantics = [#tpu.dimension_semantics<core_parallel>, #tpu.dimension_semantics<subcore_parallel>], iteration_bounds = array<i64: 2, 16>, scalar_prefetch = 0 : i64, scratch_operands = 4 : i64, tpu.core_type = #tpu.core_type<sc_vector_subcore>, window_params = [{transform_indices = #map}, {transform_indices = #map1}, {transform_indices = #map2}]} {
    %mul3A = arith.constant 2 : i32
    %mul3A_0 = arith.muli %arg1, %mul3A : i32
    %add3A = arith.addi %mul3A_0, %arg0 : i32
    %mul3A_1 = arith.constant 16 : i32
    %mul3A_2 = arith.muli %add3A, %mul3A_1 : i32
    %sub3A = arith.constant 65520 : i32
    %sub3A_3 = arith.subi %sub3A, %mul3A_2 : i32
    "tpu.region"() ({
      %run_scoped3A = tpu.sem_alloc : memref<!tpu.dma_semaphore, #tpu.memory_space<semaphore_mem>>
      %dma_start3A = arith.constant 0 : i32
      %dma_start3A_44 = tpu.memref_slice %arg2[%sub3A_3, %dma_start3A] : memref<131071x128xf32, #tpu.memory_space<hbm>> -> memref<528x128xf32, #tpu.memory_space<hbm>>
      %dma_start3A_45 = arith.constant 0 : i32
      %dma_start3A_46 = tpu.memref_slice %arg2[%sub3A_3, %dma_start3A_45] : memref<131071x128xf32, #tpu.memory_space<hbm>> -> memref<528x128xf32, #tpu.memory_space<hbm>>
      tpu.enqueue_dma source(%dma_start3A_46 : memref<528x128xf32, #tpu.memory_space<hbm>>) target(%arg5 : memref<528x128xf32, #tpu.memory_space<vmem>>) target_semaphore(%run_scoped3A : memref<!tpu.dma_semaphore, #tpu.memory_space<semaphore_mem>>)
      %dma_wait3A_47 = arith.constant 0 : i32
      %dma_wait3A_48 = tpu.memref_slice %arg2[%sub3A_3, %dma_wait3A_47] : memref<131071x128xf32, #tpu.memory_space<hbm>> -> memref<528x128xf32, #tpu.memory_space<hbm>>
      %dma_wait3A_49 = arith.constant 0 : i32
      %dma_wait3A_50 = tpu.memref_slice %arg2[%sub3A_3, %dma_wait3A_49] : memref<131071x128xf32, #tpu.memory_space<hbm>> -> memref<528x128xf32, #tpu.memory_space<hbm>>
      tpu.wait_dma2 semaphore(%run_scoped3A : memref<!tpu.dma_semaphore, #tpu.memory_space<semaphore_mem>>) src(%dma_wait3A_50 : memref<528x128xf32, #tpu.memory_space<hbm>>) dst(%arg5 : memref<528x128xf32, #tpu.memory_space<vmem>>)
      tpu.yield
    }) : () -> ()
    "tpu.region"() ({
      %run_scoped3A = tpu.sem_alloc : memref<!tpu.dma_semaphore, #tpu.memory_space<semaphore_mem>>
      tpu.enqueue_dma source(%arg3 : memref<512xf32, #tpu.memory_space<hbm>>) target(%arg6 : memref<512xf32, #tpu.memory_space<vmem>>) target_semaphore(%run_scoped3A : memref<!tpu.dma_semaphore, #tpu.memory_space<semaphore_mem>>)
      tpu.wait_dma2 semaphore(%run_scoped3A : memref<!tpu.dma_semaphore, #tpu.memory_space<semaphore_mem>>) src(%arg3 : memref<512xf32, #tpu.memory_space<hbm>>) dst(%arg6 : memref<512xf32, #tpu.memory_space<vmem>>)
      tpu.yield
    }) : () -> ()
    %scan3A = arith.constant 0 : i32
    %scan3A_4 = arith.constant 0 : i32
    %scan3A_5 = arith.constant 16 : i32
    %scan3A_6 = arith.addi %scan3A_4, %scan3A_5 : i32
    %scan3A_7 = arith.constant 1 : i32
    scf.for %scan3A_44 = %scan3A_4 to %scan3A_6 step %scan3A_7  : i32 {
      %mul3A_45 = arith.constant 4 : i32
      %mul3A_46 = arith.muli %scan3A_44, %mul3A_45 : i32
      %add3A_47 = arith.constant 0 : i32
      %add3A_48 = arith.addi %mul3A_46, %add3A_47 : i32
      %ge3A = arith.constant 2 : i32
      %ge3A_49 = arith.cmpi sge, %add3A_48, %ge3A : i32
      %convert_element_type3A = arith.extui %ge3A_49 : i1 to i32
      %cond3A = arith.constant 0 : i32
      %cond3A_50 = arith.cmpi ne, %convert_element_type3A, %cond3A : i32
      scf.if %cond3A_50 {
        %dma_wait3A_176 = arith.constant 0 : i32
        %dma_wait3A_177 = arith.constant 0 : i32
        %dma_wait3A_178 = arith.constant 0 : i32
        %dma_wait3A_179 = arith.constant 0 : i32
        %dma_wait3A_180 = tpu.memref_slice %arg7[%dma_wait3A_176, %dma_wait3A_178, %dma_wait3A_179] : memref<2x128x128xf32, #tpu.memory_space<vmem>> -> memref<1x128x128xf32, #tpu.memory_space<vmem>>
        %dma_wait3A_181 = tpu.memref_squeeze %dma_wait3A_180 : memref<1x128x128xf32, #tpu.memory_space<vmem>> -> memref<128x128xf32, #tpu.memory_space<vmem>>
        %dma_wait3A_182 = arith.constant 0 : i32
        %dma_wait3A_183 = arith.constant 0 : i32
        %dma_wait3A_184 = tpu.memref_slice %arg4[%dma_wait3A_177, %dma_wait3A_182, %dma_wait3A_183] : memref<512x512x128xf32, #tpu.memory_space<hbm>> -> memref<1x128x128xf32, #tpu.memory_space<hbm>>
        %dma_wait3A_185 = tpu.memref_squeeze %dma_wait3A_184 : memref<1x128x128xf32, #tpu.memory_space<hbm>> -> memref<128x128xf32, #tpu.memory_space<hbm>>
        %dma_wait3A_186 = arith.constant 0 : i32
        %dma_wait3A_187 = arith.constant 0 : i32
        %dma_wait3A_188 = tpu.memref_slice %arg4[%dma_wait3A_177, %dma_wait3A_186, %dma_wait3A_187] : memref<512x512x128xf32, #tpu.memory_space<hbm>> -> memref<1x128x128xf32, #tpu.memory_space<hbm>>
        %dma_wait3A_189 = tpu.memref_squeeze %dma_wait3A_188 : memref<1x128x128xf32, #tpu.memory_space<hbm>> -> memref<128x128xf32, #tpu.memory_space<hbm>>
        %dma_wait3A_190 = arith.constant 0 : i32
        %dma_wait3A_191 = arith.constant 0 : i32
        %dma_wait3A_192 = tpu.memref_slice %arg7[%dma_wait3A_176, %dma_wait3A_190, %dma_wait3A_191] : memref<2x128x128xf32, #tpu.memory_space<vmem>> -> memref<1x128x128xf32, #tpu.memory_space<vmem>>
        %dma_wait3A_193 = tpu.memref_squeeze %dma_wait3A_192 : memref<1x128x128xf32, #tpu.memory_space<vmem>> -> memref<128x128xf32, #tpu.memory_space<vmem>>
        tpu.wait_dma2 semaphore(%arg8 : memref<!tpu.dma_semaphore, #tpu.memory_space<semaphore_mem>>) src(%dma_wait3A_193 : memref<128x128xf32, #tpu.memory_space<vmem>>) dst(%dma_wait3A_189 : memref<128x128xf32, #tpu.memory_space<hbm>>)
      } else {
      }
      %sub3A_51 = arith.constant 15 : i32
      %sub3A_52 = arith.subi %sub3A_51, %scan3A_44 : i32
      %add3A_53 = arith.constant 0 : i32
      %add3A_54 = arith.addi %sub3A_52, %add3A_53 : i32
      %parallel_loop3A = arith.constant 0 : i32
      %parallel_loop3A_55 = arith.constant 128 : i32
      %parallel_loop3A_56 = arith.constant 1 : i32
      scf.for %parallel_loop3A_176 = %parallel_loop3A to %parallel_loop3A_55 step %parallel_loop3A_56  : i32 {
        %parallel_loop3A_177 = arith.constant 0 : i32
        %parallel_loop3A_178 = vector.broadcast %parallel_loop3A_177 : i32 to vector<16xi32>
        %parallel_loop3A_179 = arith.constant 0 : i32
        %parallel_loop3A_180 = arith.addi %parallel_loop3A_179, %parallel_loop3A_176 : i32
        %parallel_loop3A_181 = vector.broadcast %parallel_loop3A_180 : i32 to vector<16xi32>
        %parallel_loop3A_182 = arith.addi %parallel_loop3A_178, %parallel_loop3A_181 : vector<16xi32>
        %parallel_loop3A_183 = tpu.vector_load_idx %arg6[%parallel_loop3A_182] : memref<512xf32, #tpu.memory_space<vmem>>[vector<16xi32>], vector<16xf32>,
        %parallel_loop3A_184 = arith.addi %add3A_54, %parallel_loop3A_176 : i32
        %parallel_loop3A_185 = arith.index_cast %parallel_loop3A_184 : i32 to index
        %parallel_loop3A_186 = arith.constant 0 : index
        %parallel_loop3A_187 = tpu.vector_load %arg5[%parallel_loop3A_185, %parallel_loop3A_186] {strides = array<i32>} : memref<528x128xf32, #tpu.memory_space<vmem>>, vector<16xf32>,
        %parallel_loop3A_188 = arith.addf %parallel_loop3A_187, %parallel_loop3A_183 : vector<16xf32>
        %parallel_loop3A_189 = arith.constant 0 : i32
        %parallel_loop3A_190 = arith.index_cast %parallel_loop3A_189 : i32 to index
        %parallel_loop3A_191 = arith.index_cast %parallel_loop3A_176 : i32 to index
        %parallel_loop3A_192 = arith.constant 0 : index
        %parallel_loop3A_193 = tpu.vector_load %arg7[%parallel_loop3A_190, %parallel_loop3A_191, %parallel_loop3A_192] {strides = array<i32>} : memref<2x128x128xf32, #tpu.memory_space<vmem>>, vector<16xf32>,
        tpu.vector_store %arg7[%parallel_loop3A_190, %parallel_loop3A_191, %parallel_loop3A_192], %parallel_loop3A_188 {strides = array<i32>} : memref<2x128x128xf32, #tpu.memory_space<vmem>>, vector<16xf32>,
        %parallel_loop3A_194 = arith.addi %add3A_54, %parallel_loop3A_176 : i32
        %parallel_loop3A_195 = arith.index_cast %parallel_loop3A_194 : i32 to index
        %parallel_loop3A_196 = arith.constant 16 : index
        %parallel_loop3A_197 = tpu.vector_load %arg5[%parallel_loop3A_195, %parallel_loop3A_196] {strides = array<i32>} : memref<528x128xf32, #tpu.memory_space<vmem>>, vector<16xf32>,
        %parallel_loop3A_198 = arith.addf %parallel_loop3A_197, %parallel_loop3A_183 : vector<16xf32>
        %parallel_loop3A_199 = arith.constant 0 : i32
        %parallel_loop3A_200 = arith.index_cast %parallel_loop3A_199 : i32 to index
        %parallel_loop3A_201 = arith.index_cast %parallel_loop3A_176 : i32 to index
        %parallel_loop3A_202 = arith.constant 16 : index
        %parallel_loop3A_203 = tpu.vector_load %arg7[%parallel_loop3A_200, %parallel_loop3A_201, %parallel_loop3A_202] {strides = array<i32>} : memref<2x128x128xf32, #tpu.memory_space<vmem>>, vector<16xf32>,
        tpu.vector_store %arg7[%parallel_loop3A_200, %parallel_loop3A_201, %parallel_loop3A_202], %parallel_loop3A_198 {strides = array<i32>} : memref<2x128x128xf32, #tpu.memory_space<vmem>>, vector<16xf32>,
        %parallel_loop3A_204 = arith.addi %add3A_54, %parallel_loop3A_176 : i32
        %parallel_loop3A_205 = arith.index_cast %parallel_loop3A_204 : i32 to index
        %parallel_loop3A_206 = arith.constant 32 : index
        %parallel_loop3A_207 = tpu.vector_load %arg5[%parallel_loop3A_205, %parallel_loop3A_206] {strides = array<i32>} : memref<528x128xf32, #tpu.memory_space<vmem>>, vector<16xf32>,
        %parallel_loop3A_208 = arith.addf %parallel_loop3A_207, %parallel_loop3A_183 : vector<16xf32>
        %parallel_loop3A_209 = arith.constant 0 : i32
        %parallel_loop3A_210 = arith.index_cast %parallel_loop3A_209 : i32 to index
        %parallel_loop3A_211 = arith.index_cast %parallel_loop3A_176 : i32 to index
        %parallel_loop3A_212 = arith.constant 32 : index
        %parallel_loop3A_213 = tpu.vector_load %arg7[%parallel_loop3A_210, %parallel_loop3A_211, %parallel_loop3A_212] {strides = array<i32>} : memref<2x128x128xf32, #tpu.memory_space<vmem>>, vector<16xf32>,
        tpu.vector_store %arg7[%parallel_loop3A_210, %parallel_loop3A_211, %parallel_loop3A_212], %parallel_loop3A_208 {strides = array<i32>} : memref<2x128x128xf32, #tpu.memory_space<vmem>>, vector<16xf32>,
        %parallel_loop3A_214 = arith.addi %add3A_54, %parallel_loop3A_176 : i32
        %parallel_loop3A_215 = arith.index_cast %parallel_loop3A_214 : i32 to index
        %parallel_loop3A_216 = arith.constant 48 : index
        %parallel_loop3A_217 = tpu.vector_load %arg5[%parallel_loop3A_215, %parallel_loop3A_216] {strides = array<i32>} : memref<528x128xf32, #tpu.memory_space<vmem>>, vector<16xf32>,
        %parallel_loop3A_218 = arith.addf %parallel_loop3A_217, %parallel_loop3A_183 : vector<16xf32>
        %parallel_loop3A_219 = arith.constant 0 : i32
        %parallel_loop3A_220 = arith.index_cast %parallel_loop3A_219 : i32 to index
        %parallel_loop3A_221 = arith.index_cast %parallel_loop3A_176 : i32 to index
        %parallel_loop3A_222 = arith.constant 48 : index
        %parallel_loop3A_223 = tpu.vector_load %arg7[%parallel_loop3A_220, %parallel_loop3A_221, %parallel_loop3A_222] {strides = array<i32>} : memref<2x128x128xf32, #tpu.memory_space<vmem>>, vector<16xf32>,
        tpu.vector_store %arg7[%parallel_loop3A_220, %parallel_loop3A_221, %parallel_loop3A_222], %parallel_loop3A_218 {strides = array<i32>} : memref<2x128x128xf32, #tpu.memory_space<vmem>>, vector<16xf32>,
        %parallel_loop3A_224 = arith.addi %add3A_54, %parallel_loop3A_176 : i32
        %parallel_loop3A_225 = arith.index_cast %parallel_loop3A_224 : i32 to index
        %parallel_loop3A_226 = arith.constant 64 : index
        %parallel_loop3A_227 = tpu.vector_load %arg5[%parallel_loop3A_225, %parallel_loop3A_226] {strides = array<i32>} : memref<528x128xf32, #tpu.memory_space<vmem>>, vector<16xf32>,
        %parallel_loop3A_228 = arith.addf %parallel_loop3A_227, %parallel_loop3A_183 : vector<16xf32>
        %parallel_loop3A_229 = arith.constant 0 : i32
        %parallel_loop3A_230 = arith.index_cast %parallel_loop3A_229 : i32 to index
        %parallel_loop3A_231 = arith.index_cast %parallel_loop3A_176 : i32 to index
        %parallel_loop3A_232 = arith.constant 64 : index
        %parallel_loop3A_233 = tpu.vector_load %arg7[%parallel_loop3A_230, %parallel_loop3A_231, %parallel_loop3A_232] {strides = array<i32>} : memref<2x128x128xf32, #tpu.memory_space<vmem>>, vector<16xf32>,
        tpu.vector_store %arg7[%parallel_loop3A_230, %parallel_loop3A_231, %parallel_loop3A_232], %parallel_loop3A_228 {strides = array<i32>} : memref<2x128x128xf32, #tpu.memory_space<vmem>>, vector<16xf32>,
        %parallel_loop3A_234 = arith.addi %add3A_54, %parallel_loop3A_176 : i32
        %parallel_loop3A_235 = arith.index_cast %parallel_loop3A_234 : i32 to index
        %parallel_loop3A_236 = arith.constant 80 : index
        %parallel_loop3A_237 = tpu.vector_load %arg5[%parallel_loop3A_235, %parallel_loop3A_236] {strides = array<i32>} : memref<528x128xf32, #tpu.memory_space<vmem>>, vector<16xf32>,
        %parallel_loop3A_238 = arith.addf %parallel_loop3A_237, %parallel_loop3A_183 : vector<16xf32>
        %parallel_loop3A_239 = arith.constant 0 : i32
        %parallel_loop3A_240 = arith.index_cast %parallel_loop3A_239 : i32 to index
        %parallel_loop3A_241 = arith.index_cast %parallel_loop3A_176 : i32 to index
        %parallel_loop3A_242 = arith.constant 80 : index
        %parallel_loop3A_243 = tpu.vector_load %arg7[%parallel_loop3A_240, %parallel_loop3A_241, %parallel_loop3A_242] {strides = array<i32>} : memref<2x128x128xf32, #tpu.memory_space<vmem>>, vector<16xf32>,
        tpu.vector_store %arg7[%parallel_loop3A_240, %parallel_loop3A_241, %parallel_loop3A_242], %parallel_loop3A_238 {strides = array<i32>} : memref<2x128x128xf32, #tpu.memory_space<vmem>>, vector<16xf32>,
        %parallel_loop3A_244 = arith.addi %add3A_54, %parallel_loop3A_176 : i32
        %parallel_loop3A_245 = arith.index_cast %parallel_loop3A_244 : i32 to index
        %parallel_loop3A_246 = arith.constant 96 : index
        %parallel_loop3A_247 = tpu.vector_load %arg5[%parallel_loop3A_245, %parallel_loop3A_246] {strides = array<i32>} : memref<528x128xf32, #tpu.memory_space<vmem>>, vector<16xf32>,
        %parallel_loop3A_248 = arith.addf %parallel_loop3A_247, %parallel_loop3A_183 : vector<16xf32>
        %parallel_loop3A_249 = arith.constant 0 : i32
        %parallel_loop3A_250 = arith.index_cast %parallel_loop3A_249 : i32 to index
        %parallel_loop3A_251 = arith.index_cast %parallel_loop3A_176 : i32 to index
        %parallel_loop3A_252 = arith.constant 96 : index
        %parallel_loop3A_253 = tpu.vector_load %arg7[%parallel_loop3A_250, %parallel_loop3A_251, %parallel_loop3A_252] {strides = array<i32>} : memref<2x128x128xf32, #tpu.memory_space<vmem>>, vector<16xf32>,
        tpu.vector_store %arg7[%parallel_loop3A_250, %parallel_loop3A_251, %parallel_loop3A_252], %parallel_loop3A_248 {strides = array<i32>} : memref<2x128x128xf32, #tpu.memory_space<vmem>>, vector<16xf32>,
        %parallel_loop3A_254 = arith.addi %add3A_54, %parallel_loop3A_176 : i32
        %parallel_loop3A_255 = arith.index_cast %parallel_loop3A_254 : i32 to index
        %parallel_loop3A_256 = arith.constant 112 : index
        %parallel_loop3A_257 = tpu.vector_load %arg5[%parallel_loop3A_255, %parallel_loop3A_256] {strides = array<i32>} : memref<528x128xf32, #tpu.memory_space<vmem>>, vector<16xf32>,
        %parallel_loop3A_258 = arith.addf %parallel_loop3A_257, %parallel_loop3A_183 : vector<16xf32>
        %parallel_loop3A_259 = arith.constant 0 : i32
        %parallel_loop3A_260 = arith.index_cast %parallel_loop3A_259 : i32 to index
        %parallel_loop3A_261 = arith.index_cast %parallel_loop3A_176 : i32 to index
        %parallel_loop3A_262 = arith.constant 112 : index
        %parallel_loop3A_263 = tpu.vector_load %arg7[%parallel_loop3A_260, %parallel_loop3A_261, %parallel_loop3A_262] {strides = array<i32>} : memref<2x128x128xf32, #tpu.memory_space<vmem>>, vector<16xf32>,
        tpu.vector_store %arg7[%parallel_loop3A_260, %parallel_loop3A_261, %parallel_loop3A_262], %parallel_loop3A_258 {strides = array<i32>} : memref<2x128x128xf32, #tpu.memory_space<vmem>>, vector<16xf32>,
      } {sc.loop_unroll_factor = 4 : i64, sc.parallel_access}
      %add3A_57 = arith.addi %mul3A_2, %scan3A_44 : i32
      %dma_start3A = arith.constant 0 : i32
      %dma_start3A_58 = arith.constant 0 : i32
      %dma_start3A_59 = arith.constant 0 : i32
      %dma_start3A_60 = tpu.memref_slice %arg7[%dma_start3A, %dma_start3A_58, %dma_start3A_59] : memref<2x128x128xf32, #tpu.memory_space<vmem>> -> memref<1x128x128xf32, #tpu.memory_space<vmem>>
      %dma_start3A_61 = tpu.memref_squeeze %dma_start3A_60 : memref<1x128x128xf32, #tpu.memory_space<vmem>> -> memref<128x128xf32, #tpu.memory_space<vmem>>
      %dma_start3A_62 = arith.constant 0 : i32
      %dma_start3A_63 = arith.constant 0 : i32
      %dma_start3A_64 = tpu.memref_slice %arg4[%add3A_57, %dma_start3A_62, %dma_start3A_63] : memref<512x512x128xf32, #tpu.memory_space<hbm>> -> memref<1x128x128xf32, #tpu.memory_space<hbm>>
      %dma_start3A_65 = tpu.memref_squeeze %dma_start3A_64 : memref<1x128x128xf32, #tpu.memory_space<hbm>> -> memref<128x128xf32, #tpu.memory_space<hbm>>
      %dma_start3A_66 = arith.constant 0 : i32
      %dma_start3A_67 = arith.constant 0 : i32
      %dma_start3A_68 = tpu.memref_slice %arg4[%add3A_57, %dma_start3A_66, %dma_start3A_67] : memref<512x512x128xf32, #tpu.memory_space<hbm>> -> memref<1x128x128xf32, #tpu.memory_space<hbm>>
      %dma_start3A_69 = tpu.memref_squeeze %dma_start3A_68 : memref<1x128x128xf32, #tpu.memory_space<hbm>> -> memref<128x128xf32, #tpu.memory_space<hbm>>
      %dma_start3A_70 = arith.constant 0 : i32
      %dma_start3A_71 = arith.constant 0 : i32
      %dma_start3A_72 = tpu.memref_slice %arg7[%dma_start3A, %dma_start3A_70, %dma_start3A_71] : memref<2x128x128xf32, #tpu.memory_space<vmem>> -> memref<1x128x128xf32, #tpu.memory_space<vmem>>
      %dma_start3A_73 = tpu.memref_squeeze %dma_start3A_72 : memref<1x128x128xf32, #tpu.memory_space<vmem>> -> memref<128x128xf32, #tpu.memory_space<vmem>>
      tpu.enqueue_dma source(%dma_start3A_73 : memref<128x128xf32, #tpu.memory_space<vmem>>) target(%dma_start3A_69 : memref<128x128xf32, #tpu.memory_space<hbm>>) target_semaphore(%arg8 : memref<!tpu.dma_semaphore, #tpu.memory_space<semaphore_mem>>)
      %mul3A_74 = arith.constant 4 : i32
      %mul3A_75 = arith.muli %scan3A_44, %mul3A_74 : i32
      %add3A_76 = arith.constant 1 : i32
      %add3A_77 = arith.addi %mul3A_75, %add3A_76 : i32
      %ge3A_78 = arith.constant 2 : i32
      %ge3A_79 = arith.cmpi sge, %add3A_77, %ge3A_78 : i32
      %convert_element_type3A_80 = arith.extui %ge3A_79 : i1 to i32
      %cond3A_81 = arith.constant 0 : i32
      %cond3A_82 = arith.cmpi ne, %convert_element_type3A_80, %cond3A_81 : i32
      scf.if %cond3A_82 {
        %dma_wait3A_176 = arith.constant 1 : i32
        %dma_wait3A_177 = arith.constant 0 : i32
        %dma_wait3A_178 = arith.constant 0 : i32
        %dma_wait3A_179 = arith.constant 0 : i32
        %dma_wait3A_180 = tpu.memref_slice %arg7[%dma_wait3A_176, %dma_wait3A_178, %dma_wait3A_179] : memref<2x128x128xf32, #tpu.memory_space<vmem>> -> memref<1x128x128xf32, #tpu.memory_space<vmem>>
        %dma_wait3A_181 = tpu.memref_squeeze %dma_wait3A_180 : memref<1x128x128xf32, #tpu.memory_space<vmem>> -> memref<128x128xf32, #tpu.memory_space<vmem>>
        %dma_wait3A_182 = arith.constant 0 : i32
        %dma_wait3A_183 = arith.constant 0 : i32
        %dma_wait3A_184 = tpu.memref_slice %arg4[%dma_wait3A_177, %dma_wait3A_182, %dma_wait3A_183] : memref<512x512x128xf32, #tpu.memory_space<hbm>> -> memref<1x128x128xf32, #tpu.memory_space<hbm>>
        %dma_wait3A_185 = tpu.memref_squeeze %dma_wait3A_184 : memref<1x128x128xf32, #tpu.memory_space<hbm>> -> memref<128x128xf32, #tpu.memory_space<hbm>>
        %dma_wait3A_186 = arith.constant 0 : i32
        %dma_wait3A_187 = arith.constant 0 : i32
        %dma_wait3A_188 = tpu.memref_slice %arg4[%dma_wait3A_177, %dma_wait3A_186, %dma_wait3A_187] : memref<512x512x128xf32, #tpu.memory_space<hbm>> -> memref<1x128x128xf32, #tpu.memory_space<hbm>>
        %dma_wait3A_189 = tpu.memref_squeeze %dma_wait3A_188 : memref<1x128x128xf32, #tpu.memory_space<hbm>> -> memref<128x128xf32, #tpu.memory_space<hbm>>
        %dma_wait3A_190 = arith.constant 0 : i32
        %dma_wait3A_191 = arith.constant 0 : i32
        %dma_wait3A_192 = tpu.memref_slice %arg7[%dma_wait3A_176, %dma_wait3A_190, %dma_wait3A_191] : memref<2x128x128xf32, #tpu.memory_space<vmem>> -> memref<1x128x128xf32, #tpu.memory_space<vmem>>
        %dma_wait3A_193 = tpu.memref_squeeze %dma_wait3A_192 : memref<1x128x128xf32, #tpu.memory_space<vmem>> -> memref<128x128xf32, #tpu.memory_space<vmem>>
        tpu.wait_dma2 semaphore(%arg8 : memref<!tpu.dma_semaphore, #tpu.memory_space<semaphore_mem>>) src(%dma_wait3A_193 : memref<128x128xf32, #tpu.memory_space<vmem>>) dst(%dma_wait3A_189 : memref<128x128xf32, #tpu.memory_space<hbm>>)
      } else {
      }
      %sub3A_83 = arith.constant 15 : i32
      %sub3A_84 = arith.subi %sub3A_83, %scan3A_44 : i32
      %add3A_85 = arith.constant 128 : i32
      %add3A_86 = arith.addi %sub3A_84, %add3A_85 : i32
      %parallel_loop3A_87 = arith.constant 0 : i32
      %parallel_loop3A_88 = arith.constant 128 : i32
      %parallel_loop3A_89 = arith.constant 1 : i32
      scf.for %parallel_loop3A_176 = %parallel_loop3A_87 to %parallel_loop3A_88 step %parallel_loop3A_89  : i32 {
        %parallel_loop3A_177 = arith.constant 0 : i32
        %parallel_loop3A_178 = vector.broadcast %parallel_loop3A_177 : i32 to vector<16xi32>
        %parallel_loop3A_179 = arith.constant 128 : i32
        %parallel_loop3A_180 = arith.addi %parallel_loop3A_179, %parallel_loop3A_176 : i32
        %parallel_loop3A_181 = vector.broadcast %parallel_loop3A_180 : i32 to vector<16xi32>
        %parallel_loop3A_182 = arith.addi %parallel_loop3A_178, %parallel_loop3A_181 : vector<16xi32>
        %parallel_loop3A_183 = tpu.vector_load_idx %arg6[%parallel_loop3A_182] : memref<512xf32, #tpu.memory_space<vmem>>[vector<16xi32>], vector<16xf32>,
        %parallel_loop3A_184 = arith.addi %add3A_86, %parallel_loop3A_176 : i32
        %parallel_loop3A_185 = arith.index_cast %parallel_loop3A_184 : i32 to index
        %parallel_loop3A_186 = arith.constant 0 : index
        %parallel_loop3A_187 = tpu.vector_load %arg5[%parallel_loop3A_185, %parallel_loop3A_186] {strides = array<i32>} : memref<528x128xf32, #tpu.memory_space<vmem>>, vector<16xf32>,
        %parallel_loop3A_188 = arith.addf %parallel_loop3A_187, %parallel_loop3A_183 : vector<16xf32>
        %parallel_loop3A_189 = arith.constant 1 : i32
        %parallel_loop3A_190 = arith.index_cast %parallel_loop3A_189 : i32 to index
        %parallel_loop3A_191 = arith.index_cast %parallel_loop3A_176 : i32 to index
        %parallel_loop3A_192 = arith.constant 0 : index
        %parallel_loop3A_193 = tpu.vector_load %arg7[%parallel_loop3A_190, %parallel_loop3A_191, %parallel_loop3A_192] {strides = array<i32>} : memref<2x128x128xf32, #tpu.memory_space<vmem>>, vector<16xf32>,
        tpu.vector_store %arg7[%parallel_loop3A_190, %parallel_loop3A_191, %parallel_loop3A_192], %parallel_loop3A_188 {strides = array<i32>} : memref<2x128x128xf32, #tpu.memory_space<vmem>>, vector<16xf32>,
        %parallel_loop3A_194 = arith.addi %add3A_86, %parallel_loop3A_176 : i32
        %parallel_loop3A_195 = arith.index_cast %parallel_loop3A_194 : i32 to index
        %parallel_loop3A_196 = arith.constant 16 : index
        %parallel_loop3A_197 = tpu.vector_load %arg5[%parallel_loop3A_195, %parallel_loop3A_196] {strides = array<i32>} : memref<528x128xf32, #tpu.memory_space<vmem>>, vector<16xf32>,
        %parallel_loop3A_198 = arith.addf %parallel_loop3A_197, %parallel_loop3A_183 : vector<16xf32>
        %parallel_loop3A_199 = arith.constant 1 : i32
        %parallel_loop3A_200 = arith.index_cast %parallel_loop3A_199 : i32 to index
        %parallel_loop3A_201 = arith.index_cast %parallel_loop3A_176 : i32 to index
        %parallel_loop3A_202 = arith.constant 16 : index
        %parallel_loop3A_203 = tpu.vector_load %arg7[%parallel_loop3A_200, %parallel_loop3A_201, %parallel_loop3A_202] {strides = array<i32>} : memref<2x128x128xf32, #tpu.memory_space<vmem>>, vector<16xf32>,
        tpu.vector_store %arg7[%parallel_loop3A_200, %parallel_loop3A_201, %parallel_loop3A_202], %parallel_loop3A_198 {strides = array<i32>} : memref<2x128x128xf32, #tpu.memory_space<vmem>>, vector<16xf32>,
        %parallel_loop3A_204 = arith.addi %add3A_86, %parallel_loop3A_176 : i32
        %parallel_loop3A_205 = arith.index_cast %parallel_loop3A_204 : i32 to index
        %parallel_loop3A_206 = arith.constant 32 : index
        %parallel_loop3A_207 = tpu.vector_load %arg5[%parallel_loop3A_205, %parallel_loop3A_206] {strides = array<i32>} : memref<528x128xf32, #tpu.memory_space<vmem>>, vector<16xf32>,
        %parallel_loop3A_208 = arith.addf %parallel_loop3A_207, %parallel_loop3A_183 : vector<16xf32>
        %parallel_loop3A_209 = arith.constant 1 : i32
        %parallel_loop3A_210 = arith.index_cast %parallel_loop3A_209 : i32 to index
        %parallel_loop3A_211 = arith.index_cast %parallel_loop3A_176 : i32 to index
        %parallel_loop3A_212 = arith.constant 32 : index
        %parallel_loop3A_213 = tpu.vector_load %arg7[%parallel_loop3A_210, %parallel_loop3A_211, %parallel_loop3A_212] {strides = array<i32>} : memref<2x128x128xf32, #tpu.memory_space<vmem>>, vector<16xf32>,
        tpu.vector_store %arg7[%parallel_loop3A_210, %parallel_loop3A_211, %parallel_loop3A_212], %parallel_loop3A_208 {strides = array<i32>} : memref<2x128x128xf32, #tpu.memory_space<vmem>>, vector<16xf32>,
        %parallel_loop3A_214 = arith.addi %add3A_86, %parallel_loop3A_176 : i32
        %parallel_loop3A_215 = arith.index_cast %parallel_loop3A_214 : i32 to index
        %parallel_loop3A_216 = arith.constant 48 : index
        %parallel_loop3A_217 = tpu.vector_load %arg5[%parallel_loop3A_215, %parallel_loop3A_216] {strides = array<i32>} : memref<528x128xf32, #tpu.memory_space<vmem>>, vector<16xf32>,
        %parallel_loop3A_218 = arith.addf %parallel_loop3A_217, %parallel_loop3A_183 : vector<16xf32>
        %parallel_loop3A_219 = arith.constant 1 : i32
        %parallel_loop3A_220 = arith.index_cast %parallel_loop3A_219 : i32 to index
        %parallel_loop3A_221 = arith.index_cast %parallel_loop3A_176 : i32 to index
        %parallel_loop3A_222 = arith.constant 48 : index
        %parallel_loop3A_223 = tpu.vector_load %arg7[%parallel_loop3A_220, %parallel_loop3A_221, %parallel_loop3A_222] {strides = array<i32>} : memref<2x128x128xf32, #tpu.memory_space<vmem>>, vector<16xf32>,
        tpu.vector_store %arg7[%parallel_loop3A_220, %parallel_loop3A_221, %parallel_loop3A_222], %parallel_loop3A_218 {strides = array<i32>} : memref<2x128x128xf32, #tpu.memory_space<vmem>>, vector<16xf32>,
        %parallel_loop3A_224 = arith.addi %add3A_86, %parallel_loop3A_176 : i32
        %parallel_loop3A_225 = arith.index_cast %parallel_loop3A_224 : i32 to index
        %parallel_loop3A_226 = arith.constant 64 : index
        %parallel_loop3A_227 = tpu.vector_load %arg5[%parallel_loop3A_225, %parallel_loop3A_226] {strides = array<i32>} : memref<528x128xf32, #tpu.memory_space<vmem>>, vector<16xf32>,
        %parallel_loop3A_228 = arith.addf %parallel_loop3A_227, %parallel_loop3A_183 : vector<16xf32>
        %parallel_loop3A_229 = arith.constant 1 : i32
        %parallel_loop3A_230 = arith.index_cast %parallel_loop3A_229 : i32 to index
        %parallel_loop3A_231 = arith.index_cast %parallel_loop3A_176 : i32 to index
        %parallel_loop3A_232 = arith.constant 64 : index
        %parallel_loop3A_233 = tpu.vector_load %arg7[%parallel_loop3A_230, %parallel_loop3A_231, %parallel_loop3A_232] {strides = array<i32>} : memref<2x128x128xf32, #tpu.memory_space<vmem>>, vector<16xf32>,
        tpu.vector_store %arg7[%parallel_loop3A_230, %parallel_loop3A_231, %parallel_loop3A_232], %parallel_loop3A_228 {strides = array<i32>} : memref<2x128x128xf32, #tpu.memory_space<vmem>>, vector<16xf32>,
        %parallel_loop3A_234 = arith.addi %add3A_86, %parallel_loop3A_176 : i32
        %parallel_loop3A_235 = arith.index_cast %parallel_loop3A_234 : i32 to index
        %parallel_loop3A_236 = arith.constant 80 : index
        %parallel_loop3A_237 = tpu.vector_load %arg5[%parallel_loop3A_235, %parallel_loop3A_236] {strides = array<i32>} : memref<528x128xf32, #tpu.memory_space<vmem>>, vector<16xf32>,
        %parallel_loop3A_238 = arith.addf %parallel_loop3A_237, %parallel_loop3A_183 : vector<16xf32>
        %parallel_loop3A_239 = arith.constant 1 : i32
        %parallel_loop3A_240 = arith.index_cast %parallel_loop3A_239 : i32 to index
        %parallel_loop3A_241 = arith.index_cast %parallel_loop3A_176 : i32 to index
        %parallel_loop3A_242 = arith.constant 80 : index
        %parallel_loop3A_243 = tpu.vector_load %arg7[%parallel_loop3A_240, %parallel_loop3A_241, %parallel_loop3A_242] {strides = array<i32>} : memref<2x128x128xf32, #tpu.memory_space<vmem>>, vector<16xf32>,
        tpu.vector_store %arg7[%parallel_loop3A_240, %parallel_loop3A_241, %parallel_loop3A_242], %parallel_loop3A_238 {strides = array<i32>} : memref<2x128x128xf32, #tpu.memory_space<vmem>>, vector<16xf32>,
        %parallel_loop3A_244 = arith.addi %add3A_86, %parallel_loop3A_176 : i32
        %parallel_loop3A_245 = arith.index_cast %parallel_loop3A_244 : i32 to index
        %parallel_loop3A_246 = arith.constant 96 : index
        %parallel_loop3A_247 = tpu.vector_load %arg5[%parallel_loop3A_245, %parallel_loop3A_246] {strides = array<i32>} : memref<528x128xf32, #tpu.memory_space<vmem>>, vector<16xf32>,
        %parallel_loop3A_248 = arith.addf %parallel_loop3A_247, %parallel_loop3A_183 : vector<16xf32>
        %parallel_loop3A_249 = arith.constant 1 : i32
        %parallel_loop3A_250 = arith.index_cast %parallel_loop3A_249 : i32 to index
        %parallel_loop3A_251 = arith.index_cast %parallel_loop3A_176 : i32 to index
        %parallel_loop3A_252 = arith.constant 96 : index
        %parallel_loop3A_253 = tpu.vector_load %arg7[%parallel_loop3A_250, %parallel_loop3A_251, %parallel_loop3A_252] {strides = array<i32>} : memref<2x128x128xf32, #tpu.memory_space<vmem>>, vector<16xf32>,
        tpu.vector_store %arg7[%parallel_loop3A_250, %parallel_loop3A_251, %parallel_loop3A_252], %parallel_loop3A_248 {strides = array<i32>} : memref<2x128x128xf32, #tpu.memory_space<vmem>>, vector<16xf32>,
        %parallel_loop3A_254 = arith.addi %add3A_86, %parallel_loop3A_176 : i32
        %parallel_loop3A_255 = arith.index_cast %parallel_loop3A_254 : i32 to index
        %parallel_loop3A_256 = arith.constant 112 : index
        %parallel_loop3A_257 = tpu.vector_load %arg5[%parallel_loop3A_255, %parallel_loop3A_256] {strides = array<i32>} : memref<528x128xf32, #tpu.memory_space<vmem>>, vector<16xf32>,
        %parallel_loop3A_258 = arith.addf %parallel_loop3A_257, %parallel_loop3A_183 : vector<16xf32>
        %parallel_loop3A_259 = arith.constant 1 : i32
        %parallel_loop3A_260 = arith.index_cast %parallel_loop3A_259 : i32 to index
        %parallel_loop3A_261 = arith.index_cast %parallel_loop3A_176 : i32 to index
        %parallel_loop3A_262 = arith.constant 112 : index
        %parallel_loop3A_263 = tpu.vector_load %arg7[%parallel_loop3A_260, %parallel_loop3A_261, %parallel_loop3A_262] {strides = array<i32>} : memref<2x128x128xf32, #tpu.memory_space<vmem>>, vector<16xf32>,
        tpu.vector_store %arg7[%parallel_loop3A_260, %parallel_loop3A_261, %parallel_loop3A_262], %parallel_loop3A_258 {strides = array<i32>} : memref<2x128x128xf32, #tpu.memory_space<vmem>>, vector<16xf32>,
      } {sc.loop_unroll_factor = 4 : i64, sc.parallel_access}
      %add3A_90 = arith.addi %mul3A_2, %scan3A_44 : i32
      %dma_start3A_91 = arith.constant 1 : i32
      %dma_start3A_92 = arith.constant 0 : i32
      %dma_start3A_93 = arith.constant 0 : i32
      %dma_start3A_94 = tpu.memref_slice %arg7[%dma_start3A_91, %dma_start3A_92, %dma_start3A_93] : memref<2x128x128xf32, #tpu.memory_space<vmem>> -> memref<1x128x128xf32, #tpu.memory_space<vmem>>
      %dma_start3A_95 = tpu.memref_squeeze %dma_start3A_94 : memref<1x128x128xf32, #tpu.memory_space<vmem>> -> memref<128x128xf32, #tpu.memory_space<vmem>>
      %dma_start3A_96 = arith.constant 128 : i32
      %dma_start3A_97 = arith.constant 0 : i32
      %dma_start3A_98 = tpu.memref_slice %arg4[%add3A_90, %dma_start3A_96, %dma_start3A_97] : memref<512x512x128xf32, #tpu.memory_space<hbm>> -> memref<1x128x128xf32, #tpu.memory_space<hbm>>
      %dma_start3A_99 = tpu.memref_squeeze %dma_start3A_98 : memref<1x128x128xf32, #tpu.memory_space<hbm>> -> memref<128x128xf32, #tpu.memory_space<hbm>>
      %dma_start3A_100 = arith.constant 128 : i32
      %dma_start3A_101 = arith.constant 0 : i32
      %dma_start3A_102 = tpu.memref_slice %arg4[%add3A_90, %dma_start3A_100, %dma_start3A_101] : memref<512x512x128xf32, #tpu.memory_space<hbm>> -> memref<1x128x128xf32, #tpu.memory_space<hbm>>
      %dma_start3A_103 = tpu.memref_squeeze %dma_start3A_102 : memref<1x128x128xf32, #tpu.memory_space<hbm>> -> memref<128x128xf32, #tpu.memory_space<hbm>>
      %dma_start3A_104 = arith.constant 0 : i32
      %dma_start3A_105 = arith.constant 0 : i32
      %dma_start3A_106 = tpu.memref_slice %arg7[%dma_start3A_91, %dma_start3A_104, %dma_start3A_105] : memref<2x128x128xf32, #tpu.memory_space<vmem>> -> memref<1x128x128xf32, #tpu.memory_space<vmem>>
      %dma_start3A_107 = tpu.memref_squeeze %dma_start3A_106 : memref<1x128x128xf32, #tpu.memory_space<vmem>> -> memref<128x128xf32, #tpu.memory_space<vmem>>
      tpu.enqueue_dma source(%dma_start3A_107 : memref<128x128xf32, #tpu.memory_space<vmem>>) target(%dma_start3A_103 : memref<128x128xf32, #tpu.memory_space<hbm>>) target_semaphore(%arg8 : memref<!tpu.dma_semaphore, #tpu.memory_space<semaphore_mem>>)
      %mul3A_108 = arith.constant 4 : i32
      %mul3A_109 = arith.muli %scan3A_44, %mul3A_108 : i32
      %add3A_110 = arith.constant 2 : i32
      %add3A_111 = arith.addi %mul3A_109, %add3A_110 : i32
      %ge3A_112 = arith.constant 2 : i32
      %ge3A_113 = arith.cmpi sge, %add3A_111, %ge3A_112 : i32
      %convert_element_type3A_114 = arith.extui %ge3A_113 : i1 to i32
      %cond3A_115 = arith.constant 0 : i32
      %cond3A_116 = arith.cmpi ne, %convert_element_type3A_114, %cond3A_115 : i32
      scf.if %cond3A_116 {
        %dma_wait3A_176 = arith.constant 0 : i32
        %dma_wait3A_177 = arith.constant 0 : i32
        %dma_wait3A_178 = arith.constant 0 : i32
        %dma_wait3A_179 = arith.constant 0 : i32
        %dma_wait3A_180 = tpu.memref_slice %arg7[%dma_wait3A_176, %dma_wait3A_178, %dma_wait3A_179] : memref<2x128x128xf32, #tpu.memory_space<vmem>> -> memref<1x128x128xf32, #tpu.memory_space<vmem>>
        %dma_wait3A_181 = tpu.memref_squeeze %dma_wait3A_180 : memref<1x128x128xf32, #tpu.memory_space<vmem>> -> memref<128x128xf32, #tpu.memory_space<vmem>>
        %dma_wait3A_182 = arith.constant 0 : i32
        %dma_wait3A_183 = arith.constant 0 : i32
        %dma_wait3A_184 = tpu.memref_slice %arg4[%dma_wait3A_177, %dma_wait3A_182, %dma_wait3A_183] : memref<512x512x128xf32, #tpu.memory_space<hbm>> -> memref<1x128x128xf32, #tpu.memory_space<hbm>>
        %dma_wait3A_185 = tpu.memref_squeeze %dma_wait3A_184 : memref<1x128x128xf32, #tpu.memory_space<hbm>> -> memref<128x128xf32, #tpu.memory_space<hbm>>
        %dma_wait3A_186 = arith.constant 0 : i32
        %dma_wait3A_187 = arith.constant 0 : i32
        %dma_wait3A_188 = tpu.memref_slice %arg4[%dma_wait3A_177, %dma_wait3A_186, %dma_wait3A_187] : memref<512x512x128xf32, #tpu.memory_space<hbm>> -> memref<1x128x128xf32, #tpu.memory_space<hbm>>
        %dma_wait3A_189 = tpu.memref_squeeze %dma_wait3A_188 : memref<1x128x128xf32, #tpu.memory_space<hbm>> -> memref<128x128xf32, #tpu.memory_space<hbm>>
        %dma_wait3A_190 = arith.constant 0 : i32
        %dma_wait3A_191 = arith.constant 0 : i32
        %dma_wait3A_192 = tpu.memref_slice %arg7[%dma_wait3A_176, %dma_wait3A_190, %dma_wait3A_191] : memref<2x128x128xf32, #tpu.memory_space<vmem>> -> memref<1x128x128xf32, #tpu.memory_space<vmem>>
        %dma_wait3A_193 = tpu.memref_squeeze %dma_wait3A_192 : memref<1x128x128xf32, #tpu.memory_space<vmem>> -> memref<128x128xf32, #tpu.memory_space<vmem>>
        tpu.wait_dma2 semaphore(%arg8 : memref<!tpu.dma_semaphore, #tpu.memory_space<semaphore_mem>>) src(%dma_wait3A_193 : memref<128x128xf32, #tpu.memory_space<vmem>>) dst(%dma_wait3A_189 : memref<128x128xf32, #tpu.memory_space<hbm>>)
      } else {
      }
      %sub3A_117 = arith.constant 15 : i32
      %sub3A_118 = arith.subi %sub3A_117, %scan3A_44 : i32
      %add3A_119 = arith.constant 256 : i32
      %add3A_120 = arith.addi %sub3A_118, %add3A_119 : i32
      %parallel_loop3A_121 = arith.constant 0 : i32
      %parallel_loop3A_122 = arith.constant 128 : i32
      %parallel_loop3A_123 = arith.constant 1 : i32
      scf.for %parallel_loop3A_176 = %parallel_loop3A_121 to %parallel_loop3A_122 step %parallel_loop3A_123  : i32 {
        %parallel_loop3A_177 = arith.constant 0 : i32
        %parallel_loop3A_178 = vector.broadcast %parallel_loop3A_177 : i32 to vector<16xi32>
        %parallel_loop3A_179 = arith.constant 256 : i32
        %parallel_loop3A_180 = arith.addi %parallel_loop3A_179, %parallel_loop3A_176 : i32
        %parallel_loop3A_181 = vector.broadcast %parallel_loop3A_180 : i32 to vector<16xi32>
        %parallel_loop3A_182 = arith.addi %parallel_loop3A_178, %parallel_loop3A_181 : vector<16xi32>
        %parallel_loop3A_183 = tpu.vector_load_idx %arg6[%parallel_loop3A_182] : memref<512xf32, #tpu.memory_space<vmem>>[vector<16xi32>], vector<16xf32>,
        %parallel_loop3A_184 = arith.addi %add3A_120, %parallel_loop3A_176 : i32
        %parallel_loop3A_185 = arith.index_cast %parallel_loop3A_184 : i32 to index
        %parallel_loop3A_186 = arith.constant 0 : index
        %parallel_loop3A_187 = tpu.vector_load %arg5[%parallel_loop3A_185, %parallel_loop3A_186] {strides = array<i32>} : memref<528x128xf32, #tpu.memory_space<vmem>>, vector<16xf32>,
        %parallel_loop3A_188 = arith.addf %parallel_loop3A_187, %parallel_loop3A_183 : vector<16xf32>
        %parallel_loop3A_189 = arith.constant 0 : i32
        %parallel_loop3A_190 = arith.index_cast %parallel_loop3A_189 : i32 to index
        %parallel_loop3A_191 = arith.index_cast %parallel_loop3A_176 : i32 to index
        %parallel_loop3A_192 = arith.constant 0 : index
        %parallel_loop3A_193 = tpu.vector_load %arg7[%parallel_loop3A_190, %parallel_loop3A_191, %parallel_loop3A_192] {strides = array<i32>} : memref<2x128x128xf32, #tpu.memory_space<vmem>>, vector<16xf32>,
        tpu.vector_store %arg7[%parallel_loop3A_190, %parallel_loop3A_191, %parallel_loop3A_192], %parallel_loop3A_188 {strides = array<i32>} : memref<2x128x128xf32, #tpu.memory_space<vmem>>, vector<16xf32>,
        %parallel_loop3A_194 = arith.addi %add3A_120, %parallel_loop3A_176 : i32
        %parallel_loop3A_195 = arith.index_cast %parallel_loop3A_194 : i32 to index
        %parallel_loop3A_196 = arith.constant 16 : index
        %parallel_loop3A_197 = tpu.vector_load %arg5[%parallel_loop3A_195, %parallel_loop3A_196] {strides = array<i32>} : memref<528x128xf32, #tpu.memory_space<vmem>>, vector<16xf32>,
        %parallel_loop3A_198 = arith.addf %parallel_loop3A_197, %parallel_loop3A_183 : vector<16xf32>
        %parallel_loop3A_199 = arith.constant 0 : i32
        %parallel_loop3A_200 = arith.index_cast %parallel_loop3A_199 : i32 to index
        %parallel_loop3A_201 = arith.index_cast %parallel_loop3A_176 : i32 to index
        %parallel_loop3A_202 = arith.constant 16 : index
        %parallel_loop3A_203 = tpu.vector_load %arg7[%parallel_loop3A_200, %parallel_loop3A_201, %parallel_loop3A_202] {strides = array<i32>} : memref<2x128x128xf32, #tpu.memory_space<vmem>>, vector<16xf32>,
        tpu.vector_store %arg7[%parallel_loop3A_200, %parallel_loop3A_201, %parallel_loop3A_202], %parallel_loop3A_198 {strides = array<i32>} : memref<2x128x128xf32, #tpu.memory_space<vmem>>, vector<16xf32>,
        %parallel_loop3A_204 = arith.addi %add3A_120, %parallel_loop3A_176 : i32
        %parallel_loop3A_205 = arith.index_cast %parallel_loop3A_204 : i32 to index
        %parallel_loop3A_206 = arith.constant 32 : index
        %parallel_loop3A_207 = tpu.vector_load %arg5[%parallel_loop3A_205, %parallel_loop3A_206] {strides = array<i32>} : memref<528x128xf32, #tpu.memory_space<vmem>>, vector<16xf32>,
        %parallel_loop3A_208 = arith.addf %parallel_loop3A_207, %parallel_loop3A_183 : vector<16xf32>
        %parallel_loop3A_209 = arith.constant 0 : i32
        %parallel_loop3A_210 = arith.index_cast %parallel_loop3A_209 : i32 to index
        %parallel_loop3A_211 = arith.index_cast %parallel_loop3A_176 : i32 to index
        %parallel_loop3A_212 = arith.constant 32 : index
        %parallel_loop3A_213 = tpu.vector_load %arg7[%parallel_loop3A_210, %parallel_loop3A_211, %parallel_loop3A_212] {strides = array<i32>} : memref<2x128x128xf32, #tpu.memory_space<vmem>>, vector<16xf32>,
        tpu.vector_store %arg7[%parallel_loop3A_210, %parallel_loop3A_211, %parallel_loop3A_212], %parallel_loop3A_208 {strides = array<i32>} : memref<2x128x128xf32, #tpu.memory_space<vmem>>, vector<16xf32>,
        %parallel_loop3A_214 = arith.addi %add3A_120, %parallel_loop3A_176 : i32
        %parallel_loop3A_215 = arith.index_cast %parallel_loop3A_214 : i32 to index
        %parallel_loop3A_216 = arith.constant 48 : index
        %parallel_loop3A_217 = tpu.vector_load %arg5[%parallel_loop3A_215, %parallel_loop3A_216] {strides = array<i32>} : memref<528x128xf32, #tpu.memory_space<vmem>>, vector<16xf32>,
        %parallel_loop3A_218 = arith.addf %parallel_loop3A_217, %parallel_loop3A_183 : vector<16xf32>
        %parallel_loop3A_219 = arith.constant 0 : i32
        %parallel_loop3A_220 = arith.index_cast %parallel_loop3A_219 : i32 to index
        %parallel_loop3A_221 = arith.index_cast %parallel_loop3A_176 : i32 to index
        %parallel_loop3A_222 = arith.constant 48 : index
        %parallel_loop3A_223 = tpu.vector_load %arg7[%parallel_loop3A_220, %parallel_loop3A_221, %parallel_loop3A_222] {strides = array<i32>} : memref<2x128x128xf32, #tpu.memory_space<vmem>>, vector<16xf32>,
        tpu.vector_store %arg7[%parallel_loop3A_220, %parallel_loop3A_221, %parallel_loop3A_222], %parallel_loop3A_218 {strides = array<i32>} : memref<2x128x128xf32, #tpu.memory_space<vmem>>, vector<16xf32>,
        %parallel_loop3A_224 = arith.addi %add3A_120, %parallel_loop3A_176 : i32
        %parallel_loop3A_225 = arith.index_cast %parallel_loop3A_224 : i32 to index
        %parallel_loop3A_226 = arith.constant 64 : index
        %parallel_loop3A_227 = tpu.vector_load %arg5[%parallel_loop3A_225, %parallel_loop3A_226] {strides = array<i32>} : memref<528x128xf32, #tpu.memory_space<vmem>>, vector<16xf32>,
        %parallel_loop3A_228 = arith.addf %parallel_loop3A_227, %parallel_loop3A_183 : vector<16xf32>
        %parallel_loop3A_229 = arith.constant 0 : i32
        %parallel_loop3A_230 = arith.index_cast %parallel_loop3A_229 : i32 to index
        %parallel_loop3A_231 = arith.index_cast %parallel_loop3A_176 : i32 to index
        %parallel_loop3A_232 = arith.constant 64 : index
        %parallel_loop3A_233 = tpu.vector_load %arg7[%parallel_loop3A_230, %parallel_loop3A_231, %parallel_loop3A_232] {strides = array<i32>} : memref<2x128x128xf32, #tpu.memory_space<vmem>>, vector<16xf32>,
        tpu.vector_store %arg7[%parallel_loop3A_230, %parallel_loop3A_231, %parallel_loop3A_232], %parallel_loop3A_228 {strides = array<i32>} : memref<2x128x128xf32, #tpu.memory_space<vmem>>, vector<16xf32>,
        %parallel_loop3A_234 = arith.addi %add3A_120, %parallel_loop3A_176 : i32
        %parallel_loop3A_235 = arith.index_cast %parallel_loop3A_234 : i32 to index
        %parallel_loop3A_236 = arith.constant 80 : index
        %parallel_loop3A_237 = tpu.vector_load %arg5[%parallel_loop3A_235, %parallel_loop3A_236] {strides = array<i32>} : memref<528x128xf32, #tpu.memory_space<vmem>>, vector<16xf32>,
        %parallel_loop3A_238 = arith.addf %parallel_loop3A_237, %parallel_loop3A_183 : vector<16xf32>
        %parallel_loop3A_239 = arith.constant 0 : i32
        %parallel_loop3A_240 = arith.index_cast %parallel_loop3A_239 : i32 to index
        %parallel_loop3A_241 = arith.index_cast %parallel_loop3A_176 : i32 to index
        %parallel_loop3A_242 = arith.constant 80 : index
        %parallel_loop3A_243 = tpu.vector_load %arg7[%parallel_loop3A_240, %parallel_loop3A_241, %parallel_loop3A_242] {strides = array<i32>} : memref<2x128x128xf32, #tpu.memory_space<vmem>>, vector<16xf32>,
        tpu.vector_store %arg7[%parallel_loop3A_240, %parallel_loop3A_241, %parallel_loop3A_242], %parallel_loop3A_238 {strides = array<i32>} : memref<2x128x128xf32, #tpu.memory_space<vmem>>, vector<16xf32>,
        %parallel_loop3A_244 = arith.addi %add3A_120, %parallel_loop3A_176 : i32
        %parallel_loop3A_245 = arith.index_cast %parallel_loop3A_244 : i32 to index
        %parallel_loop3A_246 = arith.constant 96 : index
        %parallel_loop3A_247 = tpu.vector_load %arg5[%parallel_loop3A_245, %parallel_loop3A_246] {strides = array<i32>} : memref<528x128xf32, #tpu.memory_space<vmem>>, vector<16xf32>,
        %parallel_loop3A_248 = arith.addf %parallel_loop3A_247, %parallel_loop3A_183 : vector<16xf32>
        %parallel_loop3A_249 = arith.constant 0 : i32
        %parallel_loop3A_250 = arith.index_cast %parallel_loop3A_249 : i32 to index
        %parallel_loop3A_251 = arith.index_cast %parallel_loop3A_176 : i32 to index
        %parallel_loop3A_252 = arith.constant 96 : index
        %parallel_loop3A_253 = tpu.vector_load %arg7[%parallel_loop3A_250, %parallel_loop3A_251, %parallel_loop3A_252] {strides = array<i32>} : memref<2x128x128xf32, #tpu.memory_space<vmem>>, vector<16xf32>,
        tpu.vector_store %arg7[%parallel_loop3A_250, %parallel_loop3A_251, %parallel_loop3A_252], %parallel_loop3A_248 {strides = array<i32>} : memref<2x128x128xf32, #tpu.memory_space<vmem>>, vector<16xf32>,
        %parallel_loop3A_254 = arith.addi %add3A_120, %parallel_loop3A_176 : i32
        %parallel_loop3A_255 = arith.index_cast %parallel_loop3A_254 : i32 to index
        %parallel_loop3A_256 = arith.constant 112 : index
        %parallel_loop3A_257 = tpu.vector_load %arg5[%parallel_loop3A_255, %parallel_loop3A_256] {strides = array<i32>} : memref<528x128xf32, #tpu.memory_space<vmem>>, vector<16xf32>,
        %parallel_loop3A_258 = arith.addf %parallel_loop3A_257, %parallel_loop3A_183 : vector<16xf32>
        %parallel_loop3A_259 = arith.constant 0 : i32
        %parallel_loop3A_260 = arith.index_cast %parallel_loop3A_259 : i32 to index
        %parallel_loop3A_261 = arith.index_cast %parallel_loop3A_176 : i32 to index
        %parallel_loop3A_262 = arith.constant 112 : index
        %parallel_loop3A_263 = tpu.vector_load %arg7[%parallel_loop3A_260, %parallel_loop3A_261, %parallel_loop3A_262] {strides = array<i32>} : memref<2x128x128xf32, #tpu.memory_space<vmem>>, vector<16xf32>,
        tpu.vector_store %arg7[%parallel_loop3A_260, %parallel_loop3A_261, %parallel_loop3A_262], %parallel_loop3A_258 {strides = array<i32>} : memref<2x128x128xf32, #tpu.memory_space<vmem>>, vector<16xf32>,
      } {sc.loop_unroll_factor = 4 : i64, sc.parallel_access}
      %add3A_124 = arith.addi %mul3A_2, %scan3A_44 : i32
      %dma_start3A_125 = arith.constant 0 : i32
      %dma_start3A_126 = arith.constant 0 : i32
      %dma_start3A_127 = arith.constant 0 : i32
      %dma_start3A_128 = tpu.memref_slice %arg7[%dma_start3A_125, %dma_start3A_126, %dma_start3A_127] : memref<2x128x128xf32, #tpu.memory_space<vmem>> -> memref<1x128x128xf32, #tpu.memory_space<vmem>>
      %dma_start3A_129 = tpu.memref_squeeze %dma_start3A_128 : memref<1x128x128xf32, #tpu.memory_space<vmem>> -> memref<128x128xf32, #tpu.memory_space<vmem>>
      %dma_start3A_130 = arith.constant 256 : i32
      %dma_start3A_131 = arith.constant 0 : i32
      %dma_start3A_132 = tpu.memref_slice %arg4[%add3A_124, %dma_start3A_130, %dma_start3A_131] : memref<512x512x128xf32, #tpu.memory_space<hbm>> -> memref<1x128x128xf32, #tpu.memory_space<hbm>>
      %dma_start3A_133 = tpu.memref_squeeze %dma_start3A_132 : memref<1x128x128xf32, #tpu.memory_space<hbm>> -> memref<128x128xf32, #tpu.memory_space<hbm>>
      %dma_start3A_134 = arith.constant 256 : i32
      %dma_start3A_135 = arith.constant 0 : i32
      %dma_start3A_136 = tpu.memref_slice %arg4[%add3A_124, %dma_start3A_134, %dma_start3A_135] : memref<512x512x128xf32, #tpu.memory_space<hbm>> -> memref<1x128x128xf32, #tpu.memory_space<hbm>>
      %dma_start3A_137 = tpu.memref_squeeze %dma_start3A_136 : memref<1x128x128xf32, #tpu.memory_space<hbm>> -> memref<128x128xf32, #tpu.memory_space<hbm>>
      %dma_start3A_138 = arith.constant 0 : i32
      %dma_start3A_139 = arith.constant 0 : i32
      %dma_start3A_140 = tpu.memref_slice %arg7[%dma_start3A_125, %dma_start3A_138, %dma_start3A_139] : memref<2x128x128xf32, #tpu.memory_space<vmem>> -> memref<1x128x128xf32, #tpu.memory_space<vmem>>
      %dma_start3A_141 = tpu.memref_squeeze %dma_start3A_140 : memref<1x128x128xf32, #tpu.memory_space<vmem>> -> memref<128x128xf32, #tpu.memory_space<vmem>>
      tpu.enqueue_dma source(%dma_start3A_141 : memref<128x128xf32, #tpu.memory_space<vmem>>) target(%dma_start3A_137 : memref<128x128xf32, #tpu.memory_space<hbm>>) target_semaphore(%arg8 : memref<!tpu.dma_semaphore, #tpu.memory_space<semaphore_mem>>)
      %mul3A_142 = arith.constant 4 : i32
      %mul3A_143 = arith.muli %scan3A_44, %mul3A_142 : i32
      %add3A_144 = arith.constant 3 : i32
      %add3A_145 = arith.addi %mul3A_143, %add3A_144 : i32
      %ge3A_146 = arith.constant 2 : i32
      %ge3A_147 = arith.cmpi sge, %add3A_145, %ge3A_146 : i32
      %convert_element_type3A_148 = arith.extui %ge3A_147 : i1 to i32
      %cond3A_149 = arith.constant 0 : i32
      %cond3A_150 = arith.cmpi ne, %convert_element_type3A_148, %cond3A_149 : i32
      scf.if %cond3A_150 {
        %dma_wait3A_176 = arith.constant 1 : i32
        %dma_wait3A_177 = arith.constant 0 : i32
        %dma_wait3A_178 = arith.constant 0 : i32
        %dma_wait3A_179 = arith.constant 0 : i32
        %dma_wait3A_180 = tpu.memref_slice %arg7[%dma_wait3A_176, %dma_wait3A_178, %dma_wait3A_179] : memref<2x128x128xf32, #tpu.memory_space<vmem>> -> memref<1x128x128xf32, #tpu.memory_space<vmem>>
        %dma_wait3A_181 = tpu.memref_squeeze %dma_wait3A_180 : memref<1x128x128xf32, #tpu.memory_space<vmem>> -> memref<128x128xf32, #tpu.memory_space<vmem>>
        %dma_wait3A_182 = arith.constant 0 : i32
        %dma_wait3A_183 = arith.constant 0 : i32
        %dma_wait3A_184 = tpu.memref_slice %arg4[%dma_wait3A_177, %dma_wait3A_182, %dma_wait3A_183] : memref<512x512x128xf32, #tpu.memory_space<hbm>> -> memref<1x128x128xf32, #tpu.memory_space<hbm>>
        %dma_wait3A_185 = tpu.memref_squeeze %dma_wait3A_184 : memref<1x128x128xf32, #tpu.memory_space<hbm>> -> memref<128x128xf32, #tpu.memory_space<hbm>>
        %dma_wait3A_186 = arith.constant 0 : i32
        %dma_wait3A_187 = arith.constant 0 : i32
        %dma_wait3A_188 = tpu.memref_slice %arg4[%dma_wait3A_177, %dma_wait3A_186, %dma_wait3A_187] : memref<512x512x128xf32, #tpu.memory_space<hbm>> -> memref<1x128x128xf32, #tpu.memory_space<hbm>>
        %dma_wait3A_189 = tpu.memref_squeeze %dma_wait3A_188 : memref<1x128x128xf32, #tpu.memory_space<hbm>> -> memref<128x128xf32, #tpu.memory_space<hbm>>
        %dma_wait3A_190 = arith.constant 0 : i32
        %dma_wait3A_191 = arith.constant 0 : i32
        %dma_wait3A_192 = tpu.memref_slice %arg7[%dma_wait3A_176, %dma_wait3A_190, %dma_wait3A_191] : memref<2x128x128xf32, #tpu.memory_space<vmem>> -> memref<1x128x128xf32, #tpu.memory_space<vmem>>
        %dma_wait3A_193 = tpu.memref_squeeze %dma_wait3A_192 : memref<1x128x128xf32, #tpu.memory_space<vmem>> -> memref<128x128xf32, #tpu.memory_space<vmem>>
        tpu.wait_dma2 semaphore(%arg8 : memref<!tpu.dma_semaphore, #tpu.memory_space<semaphore_mem>>) src(%dma_wait3A_193 : memref<128x128xf32, #tpu.memory_space<vmem>>) dst(%dma_wait3A_189 : memref<128x128xf32, #tpu.memory_space<hbm>>)
      } else {
      }
      %sub3A_151 = arith.constant 15 : i32
      %sub3A_152 = arith.subi %sub3A_151, %scan3A_44 : i32
      %add3A_153 = arith.constant 384 : i32
      %add3A_154 = arith.addi %sub3A_152, %add3A_153 : i32
      %parallel_loop3A_155 = arith.constant 0 : i32
      %parallel_loop3A_156 = arith.constant 128 : i32
      %parallel_loop3A_157 = arith.constant 1 : i32
      scf.for %parallel_loop3A_176 = %parallel_loop3A_155 to %parallel_loop3A_156 step %parallel_loop3A_157  : i32 {
        %parallel_loop3A_177 = arith.constant 0 : i32
        %parallel_loop3A_178 = vector.broadcast %parallel_loop3A_177 : i32 to vector<16xi32>
        %parallel_loop3A_179 = arith.constant 384 : i32
        %parallel_loop3A_180 = arith.addi %parallel_loop3A_179, %parallel_loop3A_176 : i32
        %parallel_loop3A_181 = vector.broadcast %parallel_loop3A_180 : i32 to vector<16xi32>
        %parallel_loop3A_182 = arith.addi %parallel_loop3A_178, %parallel_loop3A_181 : vector<16xi32>
        %parallel_loop3A_183 = tpu.vector_load_idx %arg6[%parallel_loop3A_182] : memref<512xf32, #tpu.memory_space<vmem>>[vector<16xi32>], vector<16xf32>,
        %parallel_loop3A_184 = arith.addi %add3A_154, %parallel_loop3A_176 : i32
        %parallel_loop3A_185 = arith.index_cast %parallel_loop3A_184 : i32 to index
        %parallel_loop3A_186 = arith.constant 0 : index
        %parallel_loop3A_187 = tpu.vector_load %arg5[%parallel_loop3A_185, %parallel_loop3A_186] {strides = array<i32>} : memref<528x128xf32, #tpu.memory_space<vmem>>, vector<16xf32>,
        %parallel_loop3A_188 = arith.addf %parallel_loop3A_187, %parallel_loop3A_183 : vector<16xf32>
        %parallel_loop3A_189 = arith.constant 1 : i32
        %parallel_loop3A_190 = arith.index_cast %parallel_loop3A_189 : i32 to index
        %parallel_loop3A_191 = arith.index_cast %parallel_loop3A_176 : i32 to index
        %parallel_loop3A_192 = arith.constant 0 : index
        %parallel_loop3A_193 = tpu.vector_load %arg7[%parallel_loop3A_190, %parallel_loop3A_191, %parallel_loop3A_192] {strides = array<i32>} : memref<2x128x128xf32, #tpu.memory_space<vmem>>, vector<16xf32>,
        tpu.vector_store %arg7[%parallel_loop3A_190, %parallel_loop3A_191, %parallel_loop3A_192], %parallel_loop3A_188 {strides = array<i32>} : memref<2x128x128xf32, #tpu.memory_space<vmem>>, vector<16xf32>,
        %parallel_loop3A_194 = arith.addi %add3A_154, %parallel_loop3A_176 : i32
        %parallel_loop3A_195 = arith.index_cast %parallel_loop3A_194 : i32 to index
        %parallel_loop3A_196 = arith.constant 16 : index
        %parallel_loop3A_197 = tpu.vector_load %arg5[%parallel_loop3A_195, %parallel_loop3A_196] {strides = array<i32>} : memref<528x128xf32, #tpu.memory_space<vmem>>, vector<16xf32>,
        %parallel_loop3A_198 = arith.addf %parallel_loop3A_197, %parallel_loop3A_183 : vector<16xf32>
        %parallel_loop3A_199 = arith.constant 1 : i32
        %parallel_loop3A_200 = arith.index_cast %parallel_loop3A_199 : i32 to index
        %parallel_loop3A_201 = arith.index_cast %parallel_loop3A_176 : i32 to index
        %parallel_loop3A_202 = arith.constant 16 : index
        %parallel_loop3A_203 = tpu.vector_load %arg7[%parallel_loop3A_200, %parallel_loop3A_201, %parallel_loop3A_202] {strides = array<i32>} : memref<2x128x128xf32, #tpu.memory_space<vmem>>, vector<16xf32>,
        tpu.vector_store %arg7[%parallel_loop3A_200, %parallel_loop3A_201, %parallel_loop3A_202], %parallel_loop3A_198 {strides = array<i32>} : memref<2x128x128xf32, #tpu.memory_space<vmem>>, vector<16xf32>,
        %parallel_loop3A_204 = arith.addi %add3A_154, %parallel_loop3A_176 : i32
        %parallel_loop3A_205 = arith.index_cast %parallel_loop3A_204 : i32 to index
        %parallel_loop3A_206 = arith.constant 32 : index
        %parallel_loop3A_207 = tpu.vector_load %arg5[%parallel_loop3A_205, %parallel_loop3A_206] {strides = array<i32>} : memref<528x128xf32, #tpu.memory_space<vmem>>, vector<16xf32>,
        %parallel_loop3A_208 = arith.addf %parallel_loop3A_207, %parallel_loop3A_183 : vector<16xf32>
        %parallel_loop3A_209 = arith.constant 1 : i32
        %parallel_loop3A_210 = arith.index_cast %parallel_loop3A_209 : i32 to index
        %parallel_loop3A_211 = arith.index_cast %parallel_loop3A_176 : i32 to index
        %parallel_loop3A_212 = arith.constant 32 : index
        %parallel_loop3A_213 = tpu.vector_load %arg7[%parallel_loop3A_210, %parallel_loop3A_211, %parallel_loop3A_212] {strides = array<i32>} : memref<2x128x128xf32, #tpu.memory_space<vmem>>, vector<16xf32>,
        tpu.vector_store %arg7[%parallel_loop3A_210, %parallel_loop3A_211, %parallel_loop3A_212], %parallel_loop3A_208 {strides = array<i32>} : memref<2x128x128xf32, #tpu.memory_space<vmem>>, vector<16xf32>,
        %parallel_loop3A_214 = arith.addi %add3A_154, %parallel_loop3A_176 : i32
        %parallel_loop3A_215 = arith.index_cast %parallel_loop3A_214 : i32 to index
        %parallel_loop3A_216 = arith.constant 48 : index
        %parallel_loop3A_217 = tpu.vector_load %arg5[%parallel_loop3A_215, %parallel_loop3A_216] {strides = array<i32>} : memref<528x128xf32, #tpu.memory_space<vmem>>, vector<16xf32>,
        %parallel_loop3A_218 = arith.addf %parallel_loop3A_217, %parallel_loop3A_183 : vector<16xf32>
        %parallel_loop3A_219 = arith.constant 1 : i32
        %parallel_loop3A_220 = arith.index_cast %parallel_loop3A_219 : i32 to index
        %parallel_loop3A_221 = arith.index_cast %parallel_loop3A_176 : i32 to index
        %parallel_loop3A_222 = arith.constant 48 : index
        %parallel_loop3A_223 = tpu.vector_load %arg7[%parallel_loop3A_220, %parallel_loop3A_221, %parallel_loop3A_222] {strides = array<i32>} : memref<2x128x128xf32, #tpu.memory_space<vmem>>, vector<16xf32>,
        tpu.vector_store %arg7[%parallel_loop3A_220, %parallel_loop3A_221, %parallel_loop3A_222], %parallel_loop3A_218 {strides = array<i32>} : memref<2x128x128xf32, #tpu.memory_space<vmem>>, vector<16xf32>,
        %parallel_loop3A_224 = arith.addi %add3A_154, %parallel_loop3A_176 : i32
        %parallel_loop3A_225 = arith.index_cast %parallel_loop3A_224 : i32 to index
        %parallel_loop3A_226 = arith.constant 64 : index
        %parallel_loop3A_227 = tpu.vector_load %arg5[%parallel_loop3A_225, %parallel_loop3A_226] {strides = array<i32>} : memref<528x128xf32, #tpu.memory_space<vmem>>, vector<16xf32>,
        %parallel_loop3A_228 = arith.addf %parallel_loop3A_227, %parallel_loop3A_183 : vector<16xf32>
        %parallel_loop3A_229 = arith.constant 1 : i32
        %parallel_loop3A_230 = arith.index_cast %parallel_loop3A_229 : i32 to index
        %parallel_loop3A_231 = arith.index_cast %parallel_loop3A_176 : i32 to index
        %parallel_loop3A_232 = arith.constant 64 : index
        %parallel_loop3A_233 = tpu.vector_load %arg7[%parallel_loop3A_230, %parallel_loop3A_231, %parallel_loop3A_232] {strides = array<i32>} : memref<2x128x128xf32, #tpu.memory_space<vmem>>, vector<16xf32>,
        tpu.vector_store %arg7[%parallel_loop3A_230, %parallel_loop3A_231, %parallel_loop3A_232], %parallel_loop3A_228 {strides = array<i32>} : memref<2x128x128xf32, #tpu.memory_space<vmem>>, vector<16xf32>,
        %parallel_loop3A_234 = arith.addi %add3A_154, %parallel_loop3A_176 : i32
        %parallel_loop3A_235 = arith.index_cast %parallel_loop3A_234 : i32 to index
        %parallel_loop3A_236 = arith.constant 80 : index
        %parallel_loop3A_237 = tpu.vector_load %arg5[%parallel_loop3A_235, %parallel_loop3A_236] {strides = array<i32>} : memref<528x128xf32, #tpu.memory_space<vmem>>, vector<16xf32>,
        %parallel_loop3A_238 = arith.addf %parallel_loop3A_237, %parallel_loop3A_183 : vector<16xf32>
        %parallel_loop3A_239 = arith.constant 1 : i32
        %parallel_loop3A_240 = arith.index_cast %parallel_loop3A_239 : i32 to index
        %parallel_loop3A_241 = arith.index_cast %parallel_loop3A_176 : i32 to index
        %parallel_loop3A_242 = arith.constant 80 : index
        %parallel_loop3A_243 = tpu.vector_load %arg7[%parallel_loop3A_240, %parallel_loop3A_241, %parallel_loop3A_242] {strides = array<i32>} : memref<2x128x128xf32, #tpu.memory_space<vmem>>, vector<16xf32>,
        tpu.vector_store %arg7[%parallel_loop3A_240, %parallel_loop3A_241, %parallel_loop3A_242], %parallel_loop3A_238 {strides = array<i32>} : memref<2x128x128xf32, #tpu.memory_space<vmem>>, vector<16xf32>,
        %parallel_loop3A_244 = arith.addi %add3A_154, %parallel_loop3A_176 : i32
        %parallel_loop3A_245 = arith.index_cast %parallel_loop3A_244 : i32 to index
        %parallel_loop3A_246 = arith.constant 96 : index
        %parallel_loop3A_247 = tpu.vector_load %arg5[%parallel_loop3A_245, %parallel_loop3A_246] {strides = array<i32>} : memref<528x128xf32, #tpu.memory_space<vmem>>, vector<16xf32>,
        %parallel_loop3A_248 = arith.addf %parallel_loop3A_247, %parallel_loop3A_183 : vector<16xf32>
        %parallel_loop3A_249 = arith.constant 1 : i32
        %parallel_loop3A_250 = arith.index_cast %parallel_loop3A_249 : i32 to index
        %parallel_loop3A_251 = arith.index_cast %parallel_loop3A_176 : i32 to index
        %parallel_loop3A_252 = arith.constant 96 : index
        %parallel_loop3A_253 = tpu.vector_load %arg7[%parallel_loop3A_250, %parallel_loop3A_251, %parallel_loop3A_252] {strides = array<i32>} : memref<2x128x128xf32, #tpu.memory_space<vmem>>, vector<16xf32>,
        tpu.vector_store %arg7[%parallel_loop3A_250, %parallel_loop3A_251, %parallel_loop3A_252], %parallel_loop3A_248 {strides = array<i32>} : memref<2x128x128xf32, #tpu.memory_space<vmem>>, vector<16xf32>,
        %parallel_loop3A_254 = arith.addi %add3A_154, %parallel_loop3A_176 : i32
        %parallel_loop3A_255 = arith.index_cast %parallel_loop3A_254 : i32 to index
        %parallel_loop3A_256 = arith.constant 112 : index
        %parallel_loop3A_257 = tpu.vector_load %arg5[%parallel_loop3A_255, %parallel_loop3A_256] {strides = array<i32>} : memref<528x128xf32, #tpu.memory_space<vmem>>, vector<16xf32>,
        %parallel_loop3A_258 = arith.addf %parallel_loop3A_257, %parallel_loop3A_183 : vector<16xf32>
        %parallel_loop3A_259 = arith.constant 1 : i32
        %parallel_loop3A_260 = arith.index_cast %parallel_loop3A_259 : i32 to index
        %parallel_loop3A_261 = arith.index_cast %parallel_loop3A_176 : i32 to index
        %parallel_loop3A_262 = arith.constant 112 : index
        %parallel_loop3A_263 = tpu.vector_load %arg7[%parallel_loop3A_260, %parallel_loop3A_261, %parallel_loop3A_262] {strides = array<i32>} : memref<2x128x128xf32, #tpu.memory_space<vmem>>, vector<16xf32>,
        tpu.vector_store %arg7[%parallel_loop3A_260, %parallel_loop3A_261, %parallel_loop3A_262], %parallel_loop3A_258 {strides = array<i32>} : memref<2x128x128xf32, #tpu.memory_space<vmem>>, vector<16xf32>,
      } {sc.loop_unroll_factor = 4 : i64, sc.parallel_access}
      %add3A_158 = arith.addi %mul3A_2, %scan3A_44 : i32
      %dma_start3A_159 = arith.constant 1 : i32
      %dma_start3A_160 = arith.constant 0 : i32
      %dma_start3A_161 = arith.constant 0 : i32
      %dma_start3A_162 = tpu.memref_slice %arg7[%dma_start3A_159, %dma_start3A_160, %dma_start3A_161] : memref<2x128x128xf32, #tpu.memory_space<vmem>> -> memref<1x128x128xf32, #tpu.memory_space<vmem>>
      %dma_start3A_163 = tpu.memref_squeeze %dma_start3A_162 : memref<1x128x128xf32, #tpu.memory_space<vmem>> -> memref<128x128xf32, #tpu.memory_space<vmem>>
      %dma_start3A_164 = arith.constant 384 : i32
      %dma_start3A_165 = arith.constant 0 : i32
      %dma_start3A_166 = tpu.memref_slice %arg4[%add3A_158, %dma_start3A_164, %dma_start3A_165] : memref<512x512x128xf32, #tpu.memory_space<hbm>> -> memref<1x128x128xf32, #tpu.memory_space<hbm>>
      %dma_start3A_167 = tpu.memref_squeeze %dma_start3A_166 : memref<1x128x128xf32, #tpu.memory_space<hbm>> -> memref<128x128xf32, #tpu.memory_space<hbm>>
      %dma_start3A_168 = arith.constant 384 : i32
      %dma_start3A_169 = arith.constant 0 : i32
      %dma_start3A_170 = tpu.memref_slice %arg4[%add3A_158, %dma_start3A_168, %dma_start3A_169] : memref<512x512x128xf32, #tpu.memory_space<hbm>> -> memref<1x128x128xf32, #tpu.memory_space<hbm>>
      %dma_start3A_171 = tpu.memref_squeeze %dma_start3A_170 : memref<1x128x128xf32, #tpu.memory_space<hbm>> -> memref<128x128xf32, #tpu.memory_space<hbm>>
      %dma_start3A_172 = arith.constant 0 : i32
      %dma_start3A_173 = arith.constant 0 : i32
      %dma_start3A_174 = tpu.memref_slice %arg7[%dma_start3A_159, %dma_start3A_172, %dma_start3A_173] : memref<2x128x128xf32, #tpu.memory_space<vmem>> -> memref<1x128x128xf32, #tpu.memory_space<vmem>>
      %dma_start3A_175 = tpu.memref_squeeze %dma_start3A_174 : memref<1x128x128xf32, #tpu.memory_space<vmem>> -> memref<128x128xf32, #tpu.memory_space<vmem>>
      tpu.enqueue_dma source(%dma_start3A_175 : memref<128x128xf32, #tpu.memory_space<vmem>>) target(%dma_start3A_171 : memref<128x128xf32, #tpu.memory_space<hbm>>) target_semaphore(%arg8 : memref<!tpu.dma_semaphore, #tpu.memory_space<semaphore_mem>>)
    }
    %scan3A_8 = arith.constant 16 : i32
    %dma_wait3A = arith.constant 0 : i32
    %dma_wait3A_9 = arith.constant 0 : i32
    %dma_wait3A_10 = arith.constant 0 : i32
    %dma_wait3A_11 = arith.constant 0 : i32
    %dma_wait3A_12 = tpu.memref_slice %arg7[%dma_wait3A, %dma_wait3A_10, %dma_wait3A_11] : memref<2x128x128xf32, #tpu.memory_space<vmem>> -> memref<1x128x128xf32, #tpu.memory_space<vmem>>
    %dma_wait3A_13 = tpu.memref_squeeze %dma_wait3A_12 : memref<1x128x128xf32, #tpu.memory_space<vmem>> -> memref<128x128xf32, #tpu.memory_space<vmem>>
    %dma_wait3A_14 = arith.constant 0 : i32
    %dma_wait3A_15 = arith.constant 0 : i32
    %dma_wait3A_16 = tpu.memref_slice %arg4[%dma_wait3A_9, %dma_wait3A_14, %dma_wait3A_15] : memref<512x512x128xf32, #tpu.memory_space<hbm>> -> memref<1x128x128xf32, #tpu.memory_space<hbm>>
    %dma_wait3A_17 = tpu.memref_squeeze %dma_wait3A_16 : memref<1x128x128xf32, #tpu.memory_space<hbm>> -> memref<128x128xf32, #tpu.memory_space<hbm>>
    %dma_wait3A_18 = arith.constant 0 : i32
    %dma_wait3A_19 = arith.constant 0 : i32
    %dma_wait3A_20 = tpu.memref_slice %arg4[%dma_wait3A_9, %dma_wait3A_18, %dma_wait3A_19] : memref<512x512x128xf32, #tpu.memory_space<hbm>> -> memref<1x128x128xf32, #tpu.memory_space<hbm>>
    %dma_wait3A_21 = tpu.memref_squeeze %dma_wait3A_20 : memref<1x128x128xf32, #tpu.memory_space<hbm>> -> memref<128x128xf32, #tpu.memory_space<hbm>>
    %dma_wait3A_22 = arith.constant 0 : i32
    %dma_wait3A_23 = arith.constant 0 : i32
    %dma_wait3A_24 = tpu.memref_slice %arg7[%dma_wait3A, %dma_wait3A_22, %dma_wait3A_23] : memref<2x128x128xf32, #tpu.memory_space<vmem>> -> memref<1x128x128xf32, #tpu.memory_space<vmem>>
    %dma_wait3A_25 = tpu.memref_squeeze %dma_wait3A_24 : memref<1x128x128xf32, #tpu.memory_space<vmem>> -> memref<128x128xf32, #tpu.memory_space<vmem>>
    tpu.wait_dma2 semaphore(%arg8 : memref<!tpu.dma_semaphore, #tpu.memory_space<semaphore_mem>>) src(%dma_wait3A_25 : memref<128x128xf32, #tpu.memory_space<vmem>>) dst(%dma_wait3A_21 : memref<128x128xf32, #tpu.memory_space<hbm>>)
    %dma_wait3A_26 = arith.constant 1 : i32
    %dma_wait3A_27 = arith.constant 0 : i32
    %dma_wait3A_28 = arith.constant 0 : i32
    %dma_wait3A_29 = arith.constant 0 : i32
    %dma_wait3A_30 = tpu.memref_slice %arg7[%dma_wait3A_26, %dma_wait3A_28, %dma_wait3A_29] : memref<2x128x128xf32, #tpu.memory_space<vmem>> -> memref<1x128x128xf32, #tpu.memory_space<vmem>>
    %dma_wait3A_31 = tpu.memref_squeeze %dma_wait3A_30 : memref<1x128x128xf32, #tpu.memory_space<vmem>> -> memref<128x128xf32, #tpu.memory_space<vmem>>
    %dma_wait3A_32 = arith.constant 0 : i32
    %dma_wait3A_33 = arith.constant 0 : i32
    %dma_wait3A_34 = tpu.memref_slice %arg4[%dma_wait3A_27, %dma_wait3A_32, %dma_wait3A_33] : memref<512x512x128xf32, #tpu.memory_space<hbm>> -> memref<1x128x128xf32, #tpu.memory_space<hbm>>
    %dma_wait3A_35 = tpu.memref_squeeze %dma_wait3A_34 : memref<1x128x128xf32, #tpu.memory_space<hbm>> -> memref<128x128xf32, #tpu.memory_space<hbm>>
    %dma_wait3A_36 = arith.constant 0 : i32
    %dma_wait3A_37 = arith.constant 0 : i32
    %dma_wait3A_38 = tpu.memref_slice %arg4[%dma_wait3A_27, %dma_wait3A_36, %dma_wait3A_37] : memref<512x512x128xf32, #tpu.memory_space<hbm>> -> memref<1x128x128xf32, #tpu.memory_space<hbm>>
    %dma_wait3A_39 = tpu.memref_squeeze %dma_wait3A_38 : memref<1x128x128xf32, #tpu.memory_space<hbm>> -> memref<128x128xf32, #tpu.memory_space<hbm>>
    %dma_wait3A_40 = arith.constant 0 : i32
    %dma_wait3A_41 = arith.constant 0 : i32
    %dma_wait3A_42 = tpu.memref_slice %arg7[%dma_wait3A_26, %dma_wait3A_40, %dma_wait3A_41] : memref<2x128x128xf32, #tpu.memory_space<vmem>> -> memref<1x128x128xf32, #tpu.memory_space<vmem>>
    %dma_wait3A_43 = tpu.memref_squeeze %dma_wait3A_42 : memref<1x128x128xf32, #tpu.memory_space<vmem>> -> memref<128x128xf32, #tpu.memory_space<vmem>>
    tpu.wait_dma2 semaphore(%arg8 : memref<!tpu.dma_semaphore, #tpu.memory_space<semaphore_mem>>) src(%dma_wait3A_43 : memref<128x128xf32, #tpu.memory_space<vmem>>) dst(%dma_wait3A_39 : memref<128x128xf32, #tpu.memory_space<hbm>>)
    return
  }
}

</mosaic_0001>

<sc_bundles>
// kernel: kernel.3.cloned.1.call-start
scs
__scs_entry_jumppad:
0x0: {  	(pc) =	sbr.rel $0x88, $3  }
0x1: {  	(tag) =	ssettag $0x0;
	lr =	simm.s32 $0x1  }
0x2: {  	[smem:$0x3F9F] =	sst lr;
	_ =	strace $0xD0000000  }
0x3: {  	_ = 	snop  }
0x4: {  	_ = 	snop  }
0x5: {  	_ = 	snop  }
0x6: {  	_ = 	snop  }
0x7: {  	_ = 	snop  }
__scs_overlays_trampoline_lowered:
0x8: {  	[smem:$0x3FAE] =	sst s0  }
0x9: {  	[smem:$0x3FAF] =	sst s1  }
0xa: {  	[smem:$0x3FB0] =	sst s2  }
0xb: {  	[smem:$0x3FB1] =	sst s3  }
0xc: {  	[smem:$0x3FB2] =	sst s4  }
0xd: {  	[smem:$0x3FB3] =	sst s5  }
0xe: {  	[smem:$0x3FB4] =	sst s6  }
0xf: {  	[smem:$0x3FB5] =	sst s7  }
0x10: {  	[smem:$0x3FB6] =	sst s8  }
0x11: {  	[smem:$0x3FB7] =	sst s9;
	s0 =	simm.s32 @!p0 $0x0  }
0x12: {  	s1 =	sld [smem:$0x3F9D];
	s0 =	simm.s32 @p0 $0x1  }
0x13: {  	[smem:$0x3FB8] =	sst s0;
	s0 =	simm.s32 @!p1 $0x0  }
0x14: {  	s2 =	sld [smem:$0x3F9C];
	s0 =	simm.s32 @p1 $0x1  }
0x15: {  	[smem:$0x3FB9] =	sst s0;
	s0 =	simm.s32 @!p2 $0x0  }
0x16: {  	s3 =	sld [smem:$0x3FDB];
	s0 =	simm.s32 @p2 $0x1  }
0x17: {  	s4 =	simm.s32 $0x1BF5;
	[smem:$0x3FBB] =	sst s0  }
0x18: {  	s0 =	sld [smem:$0x3F9E];
	_ =	swait.ge [sflag:s4], $0x0  }
0x19: {  	s7 =	sld [smem:$0x3F9F]  }
0x1a: {  	s8 =	sadd.s32 $0xFFFFE003, lr  }
0x1b: {  	s9 =	sadd.s32 $0xFFFFFEF7, lr;
	s5 =	simm.s32 $0xFFFFFFFF;
	p2 =	slt.u32 s8, $0xFFFFF086  }
0x1c: {  	p1 =	slt.u32 s9, $0xF7A;
	s5 =	simm.s32 @!p2 $0x0  }
0x1d: {  	s5 =	simm.s32 @p1 $0x1;
	p0 =	seq.s32 s7, s2  }
0x1e: {  	s7 =	smul.u32 @!p0 $0xF7A, s2;
	p2 =	seq.s32 @!p0 s5, $0x0  }
0x1f: {  	s9 =	smul.u32 $0xF7A, s1;
	s8 =	simm.s32 @!p0 $0x1BF5;
	p2 =	por !p2, p0  }
0x20: {  	[sflag:s8] =	ssyncset.s32 @!p0 $0xFFFFF086;
	s6 =	sadd.s32 @!p0 s3, s7;
	s7 =	simm.s32 @!p0 $0x108  }
0x21: {  	s3 =	sadd.s32 s3, s9;
	s6 =	sadd.s32 @!p0 $0x88, s6;
	s7 =	simm.s32 @p2 $0x1082  }
0x22: {  	[simem:s7], [sflag:s8] =	dma.local @!p0 [hbm:s6], $0xF7A  }
0x23: {  	s9 =	sor.u32 $0xD0000000, s2;
	s6 =	simm.s32 $0x108;
	_ =	swait.ge @!p0 [sflag:s8], $0x0  }
0x24: {  	s3 =	sadd.s32 $0x88, s3;
	s6 =	simm.s32 @!p1 $0x1082;
	[sflag:s4] =	ssyncset.s32 $0xFFFFF086  }
0x25: {  	[simem:s6], [sflag:s4] =	dma.local [hbm:s3], $0xF7A  }
0x26: {  	[smem:$0x3F9F] =	sst s1;
	(tag) =	ssettag s2;
	_ =	strace s9  }
0x27: {  	s1 =	sld [smem:$0x3FAF]  }
0x28: {  	s2 =	sld [smem:$0x3FB0]  }
0x29: {  	s4 =	sld [smem:$0x3FB2]  }
0x2a: {  	p0 =	seq.s32 s5, $0x0;
	s5 =	sld [smem:$0x3FB3]  }
0x2b: {  	s6 =	sld [smem:$0x3FB4]  }
0x2c: {  	s7 =	sld [smem:$0x3FB5]  }
0x2d: {  	s3 =	simm.s32 $0x108;
	s8 =	sld [smem:$0x3FB6]  }
0x2e: {  	s3 =	simm.s32 @!p0 $0x1082;
	s9 =	sld [smem:$0x3FB7]  }
0x2f: {  	lr =	sadd.s32 s0, s3;
	s0 =	sld [smem:$0x3FAE]  }
0x30: {  	s3 =	sld [smem:$0x3FB1]  }
0x31: {  	[smem:$0x3FBA] =	sst s10  }
0x32: {  	s10 =	sld [smem:$0x3FB8];
	_ =	sdelay $0x3  }
0x33: {  	p0 =	seq.s32 s10, $0x1;
	s10 =	sld [smem:$0x3FBA];
	_ =	sdelay $0x3  }
0x34: {  	[smem:$0x3FBA] =	sst s10  }
0x35: {  	s10 =	sld [smem:$0x3FB9];
	_ =	sdelay $0x3  }
0x36: {  	p1 =	seq.s32 s10, $0x1;
	s10 =	sld [smem:$0x3FBA];
	_ =	sdelay $0x3  }
0x37: {  	[smem:$0x3FBA] =	sst s10  }
0x38: {  	s10 =	sld [smem:$0x3FBB]  }
0x39: {  	_ = 	snop;
	(pc) =	sbr.ind lr, $3  }
0x3a: {  	_ = 	snop  }
0x3b: {  	_ = 	snop  }
0x3c: {  	p2 =	seq.s32 s10, $0x1;
	s10 =	sld [smem:$0x3FBA]  }
0x3d: {  	_ =	shalt  }
0x3e: {  	_ =	shalt  }
0x3f: {  	_ =	shalt  }
0x40: {  	_ =	shalt  }
0x41: {  	_ =	shalt  }
0x42: {  	_ =	shalt  }
0x43: {  	_ =	shalt  }
0x44: {  	_ =	shalt  }
0x45: {  	_ =	shalt  }
0x46: {  	_ =	shalt  }
0x47: {  	_ =	shalt  }
0x48: {  	_ =	shalt  }
0x49: {  	_ =	shalt  }
0x4a: {  	_ =	shalt  }
0x4b: {  	_ =	shalt  }
0x4c: {  	_ =	shalt  }
0x4d: {  	_ =	shalt  }
0x4e: {  	_ =	shalt  }
0x4f: {  	_ =	shalt  }
0x50: {  	_ =	shalt  }
0x51: {  	_ =	shalt  }
0x52: {  	_ =	shalt  }
0x53: {  	_ =	shalt  }
0x54: {  	_ =	shalt  }
0x55: {  	_ =	shalt  }
0x56: {  	_ =	shalt  }
0x57: {  	_ =	shalt  }
0x58: {  	_ =	shalt  }
0x59: {  	_ =	shalt  }
0x5a: {  	_ =	shalt  }
0x5b: {  	_ =	shalt  }
0x5c: {  	_ =	shalt  }
0x5d: {  	_ =	shalt  }
0x5e: {  	_ =	shalt  }
0x5f: {  	_ =	shalt  }
0x60: {  	_ =	shalt  }
0x61: {  	_ =	shalt  }
0x62: {  	_ =	shalt  }
0x63: {  	_ =	shalt  }
0x64: {  	_ =	shalt  }
0x65: {  	_ =	shalt  }
0x66: {  	_ =	shalt  }
0x67: {  	_ =	shalt  }
0x68: {  	_ =	shalt  }
0x69: {  	_ =	shalt  }
0x6a: {  	_ =	shalt  }
0x6b: {  	_ =	shalt  }
0x6c: {  	_ =	shalt  }
0x6d: {  	_ =	shalt  }
0x6e: {  	_ =	shalt  }
0x6f: {  	_ =	shalt  }
0x70: {  	_ =	shalt  }
0x71: {  	_ =	shalt  }
0x72: {  	_ =	shalt  }
0x73: {  	_ =	shalt  }
0x74: {  	_ =	shalt  }
0x75: {  	_ =	shalt  }
0x76: {  	_ =	shalt  }
0x77: {  	_ =	shalt  }
0x78: {  	_ =	shalt  }
0x79: {  	_ =	shalt  }
0x7a: {  	_ =	shalt  }
0x7b: {  	_ =	shalt  }
0x7c: {  	_ =	shalt  }
0x7d: {  	_ =	shalt  }
0x7e: {  	_ =	shalt  }
0x7f: {  	_ =	shalt  }
0x80: {  	_ =	shalt  }
0x81: {  	_ =	shalt  }
0x82: {  	_ =	shalt  }
0x83: {  	_ =	shalt  }
0x84: {  	_ =	shalt  }
0x85: {  	_ =	shalt  }
0x86: {  	_ =	shalt  }
0x87: {  	_ =	shalt  }
.Lfunc_end0:
.L_simem_size_0:
called_computation_lowered:
.L_overlay_start_0:
0x88: {  	s2 =	sld [smem:$0x3FD9]  }
0x89: {  	s3 =	sld [smem:$0x3FFE];
	_ =	sdelay $0x1  }
0x8a: {  	s1 =	srdreg.scid  }
0x8b: {  	s0 =	sand.u32 $0x1, s1  }
0x8c: {  	s18 =	sshll.u32 s0, $0xA;
	s2 =	sadd.s32 s3, s2  }
0x8d: {  	s2 =	sadd.s32 s2, s18  }
0x8e: {  	[smem:$0x3FC6] =	sst s2  }
0x8f: {  	_ = 	snop  }
0x90: {  	s2 =	sld [smem:$0x3FC9]  }
0x91: {  	s19 =	sld [smem:$0x3FC8]  }
0x92: {  	s4 =	sld [smem:$0x3FD0];
	(tm) =	ssettm $0x1  }
0x93: {  	s5 =	sld [smem:$0x3FFB];
	_ =	sdelay $0x3  }
0x94: {  	_ =	strace s5  }
0x95: {  	s5 =	sld [smem:$0x3FFC];
	_ =	sdelay $0x3  }
0x96: {  	_ =	strace s5  }
0x97: {  	s5 =	sld [smem:$0x3FFD];
	_ =	sdelay $0x3  }
0x98: {  	_ =	strace s5  }
0x99: {  	_ =	strace $0x8FFFFFFF  }
0x9a: {  	s20 =	sld [smem:$0x3FDB];
	_ =	sdelay $0x1  }
0x9b: {  	s6 =	simm.s32 $_scs_section_size  }
0x9c: {  	s7 =	simm.s32 $_size__tile_overlayer_lowered;
	s8 =	simm.s32 $_tile_overlayer_lowered  }
0x9d: {  	s23 =	simm.s32 $0x1BFF;
	s22 =	sshll.u32 s8, $0x1;
	s5 =	sadd.s32 s6, s20  }
0x9e: {  	s9 =	simm.s32 $0x0;
	s21 =	sshll.u32 s7, $0x1;
	s7 =	sadd.s32 s22, s5  }
0x9f: {  	[timem:s9], [sflag:s23] =	dma.local [hbm:s7], s21  }
0xa0: {  	_ =	swait.ge [sflag:s23], s21  }
0xa1: {  	s6 =	ssub.s32 $0x0, s21;
	[sflag:s23] =	ssyncset.done $0x0  }
0xa2: {  	[sflag:s23] =	ssyncadd.s32 s6;
	_ =	sdelay $0x1  }
0xa3: {  	s24 =	simm.s32 $0x1B8B  }
0xa4: {  	_ =	swait.ge [sflag:s24], $0x1  }
0xa5: {  	[sflag:s24] =	ssyncset.done $0x0  }
0xa6: {  	s25 =	simm.s32 $0x1B8E;
	[sflag:s24] =	ssyncadd.s32 $0xFFFFFFFF  }
0xa7: {  	s26 =	simm.s32 $execute0_lowered;
	[smem:$0x3FD2] =	sst s25  }
0xa8: {  	s6 =	sshll.u32 s26, $0x1;
	_ =	strace $0x80000046;
	[dreg:$0x1] =	wrdreg $0xFFFFFFFF  }
0xa9: {  	s28 =	simm.s32 $_size_execute0_lowered;
	s5 =	sadd.s32 s5, s6;
	[dreg:$0x0] =	wrdreg $0x0  }
0xaa: {  	s6 =	sshll.u32 s28, $0x1;
	[dreg:$0x2] =	wrdreg s5  }
0xab: {  	[dreg:$0x3] =	wrdreg s6  }
0xac: {  	[dreg:$0x4] =	wrdreg $0xC0  }
0xad: {  	_ =	task [dreg:s9], $0x5FFFF  }
0xae: {  	[dreg:$0x1] =	wrdreg $0xFFFFFFFF  }
0xaf: {  	[dreg:$0x0] =	wrdreg $0x60  }
0xb0: {  	[dreg:$0x2] =	wrdreg s19  }
0xb1: {  	[dreg:$0x3] =	wrdreg s2  }
0xb2: {  	[dreg:$0x4] =	wrdreg s4  }
0xb3: {  	[dreg:$0x5] =	wrdreg $0x9  }
0xb4: {  	_ =	task.clear_ibuf [dreg:s9], $0x6FFFF;
	_ =	strace $0x90000046  }
0xb5: {  	s29 =	simm.s32 $0x9;
	_ =	strace $0x80000048  }
0xb6: {  	_ =	swait.ge [sflag:s29], $0x1  }
0xb7: {  	[sflag:s29] =	ssyncadd.s32 $0xFFFFFFFF  }
0xb8: {  	_ =	strace $0x90000048  }
0xb9: {  	_ =	sfence  }
0xba: {  	s30 =	sld [smem:$0x0];
	_ =	sdelay $0x2  }
0xbb: {  	s31 =	sshll.u32 s1, $0xD;
	s1 =	sshrl.u32 s1, $0x2  }
0xbc: {  	s3 =	sand.u32 $0x4000, s31;
	s1 =	sadd.s32 s1, s30  }
0xbd: {  	s0 =	sor.u32 s3, s0;
	s1 =	sshll.u32 s1, $0x11  }
0xbe: {  	s0 =	sor.u32 s1, s0  }
0xbf: {  	s0 =	sadd.s32 $0x8F2B, s0  }
0xc0: {  	[sflag:s0] =	ssyncadd.remote.s32 $0x1  }
0xc1: {  	_ =	sfence.sel $0xFFFF  }
0xc2: {  	[dreg:$0x0] =	wrdreg $0xFFFFFFFF;
	(pc) =	sbr.abs _section_cstart, $3  }
0xc3: {  	[dreg:$0x1] =	wrdreg $0xFFFFFFFF  }
0xc4: {  	_ =	task.clear_ibuf [dreg:s9], $0x2FFFF;
	_ =	strace $0x9FFFFFFF  }
0xc5: {  	(tm) =	ssettm $0x7FFFFFFF  }
tec
execute0_lowered:
.L_overlay_start_1:
0x0: {  	(tag) =	ssettag $0x1  }
0x1: {  	s6 =	rddreg [dreg:$0x0]  }
0x2: {  	s1 =	srdreg.scid;
	s2 =	rddreg [dreg:$0x1]  }
0x3: {  	s0 =	stileid.u32;
	s3 =	rddreg [dreg:$0x2]  }
0x4: {  	s4 =	simm.s32 $0x0;
	s11 =	simm.s32 $0x2;
	s12 =	simm.s32 $0x10800  }
0x5: {  	s13 =	simm.s32 $0x10A00;
	s14 =	simm.s32 $0x14A00;
	s15 =	simm.s32 $0x1  }
0x6: {  	s16 =	simm.s32 $0x0;
	s7 =	sand.u32 $0x1, s1;
	s5 =	sshll.u32 s0, $0x5  }
0x7: {  	s1 =	rddreg [dreg:$0x3];
	s8 =	sshll.u32 s7, $0x4;
	s7 =	ssub.s32 $0x2, s7  }
0x8: {  	[smem:$0x7FF] =	sst s4;
	s5 =	sor.u32 s8, s5;
	s9 =	sshrl.u32 s7, $0x1  }
0x9: {  	_ =	strace $0x80000047;
	s8 =	sshll.u32 s5, $0x4;
	s10 =	ssub.s32 s7, s9  }
0xa: {  	s7 =	sadd.s32 $0x800, s3;
	s9 =	sadd.s32 $0x1800, s3;
	s8 =	sxor.u32 $0xFFF00, s8  }
0xb: {  	s10 =	smax.u32 s10, $0x1;
	s6 =	sadd.s32 s6, s8;
	s8 =	sadd.s32 $0x1000, s3  }
.LBB2_1:
0xc: {  	[tilespmem:s4], [sflag:$0x2] =	stream.linear.gather [hbm4b:s6+s4], $0x10800, $0x38;
	[tilespmem:$0x18A00] =	vst v63  }
0xd: {  	_ =	swait.ge [sflag:s11], $0x10800  }
0xe: {  	[sflag:s11] =	ssyncset.done $0x0  }
0xf: {  	[sflag:s11] =	ssyncadd.s32 $0xFFFEF800  }
0x10: {  	[tilespmem:s12], [sflag:$0x2] =	stream.linear.gather [hbm4b:s2+s4], $0x200, $0x38;
	[tilespmem:$0x18A00] =	vst v63  }
0x11: {  	_ =	swait.ge [sflag:s11], $0x200  }
0x12: {  	s17 =	simm.s32 $0x970;
	[sflag:s11] =	ssyncset.done $0x0  }
0x13: {  	s18 =	simm.s32 $0x0;
	s19 =	simm.s32 $0x0;
	[sflag:s11] =	ssyncadd.s32 $0xFFFFFE00  }
.LBB2_2:
0x14: {  	s20 =	simm.s32 $0x0  }
0x15: {  	s24 =	simm.s32 $0x1;
	v0 =	vmov s20  }
0x16: {  	s25 =	simm.s32 $0x2;
	v1 =	vmov s24;
	v0 =	vand.u32 $0xFFFFFFFC, v0  }
0x17: {  	v2 =	vmov s25;
	v1 =	vand.u32 $0xFFFFFFFD, v1;
	v0 =	vbroadcast v0, $0x0  }
0x18: {  	p0 =	seq.s32 s19, $0x0;
	v2 =	vand.u32 $0xFFFFFFFE, v2;
	v1 =	vbroadcast v1, $0x0  }
0x19: {  	s20 =	simm.s32 @!p0 $0x1;
	v2 =	vbroadcast v2, $0x0  }
0x1a: {  	_ =	swait.ge @!p0 [sflag:s20], $0x4000  }
0x1b: {  	[sflag:s20] =	ssyncset.done @!p0 $0x0  }
0x1c: {  	[sflag:s20] =	ssyncadd.s32 @!p0 $0xFFFFC000  }
0x1d: {  	s26 =	simm.s32 $0x3;
	v5 =	vld.idx.msk [tilespmem:v0+s12+$0x0], $0xffff  }
0x1e: {  	v0 =	vmov s26;
	v6 =	vld.idx.msk [tilespmem:v1+s12+$0x0], $0xffff  }
0x1f: {  	v7 =	vld.idx.msk [tilespmem:v2+s12+$0x0], $0xffff  }
0x20: {  	v1 =	vld [tilespmem:s17+$0xFFFFFF10]  }
0x21: {  	v2 =	vld [tilespmem:s17+$0xFFFFFE10]  }
0x22: {  	v3 =	vld [tilespmem:s17+$0xFFFFFE90]  }
0x23: {  	v4 =	vld.idx.msk [tilespmem:v0+s12+$0x0], $0xffff  }
0x24: {  	v0 =	vld [tilespmem:s17+$0xFFFFFF90]  }
0x25: {  	v1 =	vadd.f32 v1, v7  }
0x26: {  	s22 =	simm.s32 $0x10B00;
	v2 =	vadd.f32 v2, v5  }
0x27: {  	v3 =	vadd.f32 v3, v6;
	[tilespmem:s22+$0x0] =	vst v1  }
0x28: {  	[tilespmem:s22+$0xFFFFFF00] =	vst v2;
	v1 =	vld [tilespmem:s17+$0xFFFFFF20]  }
0x29: {  	[tilespmem:s22+$0xFFFFFF80] =	vst v3;
	v2 =	vld [tilespmem:s17+$0xFFFFFE20];
	v0 =	vadd.f32 v0, v4  }
0x2a: {  	v3 =	vld [tilespmem:s17+$0xFFFFFEA0]  }
0x2b: {  	[tilespmem:s22+$0x80] =	vst v0  }
0x2c: {  	v0 =	vld [tilespmem:s17+$0xFFFFFFA0]  }
0x2d: {  	v1 =	vadd.f32 v1, v7  }
0x2e: {  	v2 =	vadd.f32 v2, v5  }
0x2f: {  	v3 =	vadd.f32 v3, v6;
	[tilespmem:s22+$0x10] =	vst v1  }
0x30: {  	[tilespmem:s22+$0xFFFFFF10] =	vst v2;
	v1 =	vld [tilespmem:s17+$0xFFFFFF30]  }
0x31: {  	[tilespmem:s22+$0xFFFFFF90] =	vst v3;
	v2 =	vld [tilespmem:s17+$0xFFFFFE30];
	v0 =	vadd.f32 v0, v4  }
0x32: {  	v3 =	vld [tilespmem:s17+$0xFFFFFEB0]  }
0x33: {  	[tilespmem:s22+$0x90] =	vst v0  }
0x34: {  	v0 =	vld [tilespmem:s17+$0xFFFFFFB0]  }
0x35: {  	s28 =	simm.s32 $0x4;
	v1 =	vadd.f32 v1, v7  }
0x36: {  	s29 =	simm.s32 $0x5;
	v8 =	vmov s28;
	v2 =	vadd.f32 v2, v5  }
0x37: {  	s21 =	simm.s32 $0x7;
	v9 =	vmov s29;
	v8 =	vand.u32 $0xFFFFFFFC, v8;
	v3 =	vadd.f32 v3, v6;
	[tilespmem:s22+$0x20] =	vst v1  }
0x38: {  	v9 =	vand.u32 $0xFFFFFFFD, v9;
	v8 =	vbroadcast v8, $0x0;
	v1 =	vmov s21;
	[tilespmem:s22+$0xFFFFFF20] =	vst v2;
	v2 =	vld [tilespmem:s17+$0xFFFFFF40]  }
0x39: {  	v9 =	vbroadcast v9, $0x0;
	[tilespmem:s22+$0xFFFFFFA0] =	vst v3;
	v10 =	vld [tilespmem:s17+$0xFFFFFE40];
	v0 =	vadd.f32 v0, v4  }
0x3a: {  	v11 =	vld [tilespmem:s17+$0xFFFFFEC0]  }
0x3b: {  	s30 =	simm.s32 $0x6;
	[tilespmem:s22+$0xA0] =	vst v0  }
0x3c: {  	v0 =	vmov s30;
	v12 =	vld [tilespmem:s17+$0xFFFFFFC0]  }
0x3d: {  	v3 =	vand.u32 $0xFFFFFFFE, v0;
	v0 =	vld.idx.msk [tilespmem:v1+s12+$0x0], $0xffff;
	v2 =	vadd.f32 v2, v7  }
0x3e: {  	v1 =	vld.idx.msk [tilespmem:v8+s12+$0x0], $0xffff;
	v8 =	vadd.f32 v10, v5;
	v13 =	vbroadcast v3, $0x0  }
0x3f: {  	v3 =	vld.idx.msk [tilespmem:v9+s12+$0x0], $0xffff;
	v9 =	vadd.f32 v11, v6;
	[tilespmem:s22+$0x30] =	vst v2  }
0x40: {  	s21 =	sadd.s32 $0x200, s17;
	[tilespmem:s22+$0xFFFFFF30] =	vst v8;
	v8 =	vld [tilespmem:s17+$0xFFFFFF50]  }
0x41: {  	v11 =	vld [tilespmem:s21+$0xFFFFFF10];
	[tilespmem:s22+$0xFFFFFFB0] =	vst v9  }
0x42: {  	v9 =	vld [tilespmem:s17+$0xFFFFFED0]  }
0x43: {  	v10 =	vld [tilespmem:s17+$0xFFFFFE50]  }
0x44: {  	v2 =	vld.idx.msk [tilespmem:v13+s12+$0x0], $0xffff  }
0x45: {  	v13 =	vld [tilespmem:s21+$0xFFFFFE10];
	v8 =	vadd.f32 v8, v7  }
0x46: {  	v14 =	vld [tilespmem:s21+$0xFFFFFE90];
	v12 =	vadd.f32 v12, v4  }
0x47: {  	v15 =	vld [tilespmem:s21+$0xFFFFFF90];
	v9 =	vadd.f32 v9, v6;
	[tilespmem:s22+$0x40] =	vst v8  }
0x48: {  	[tilespmem:s22+$0xB0] =	vst v12;
	v8 =	vadd.f32 v10, v5;
	v10 =	vld [tilespmem:s17+$0xFFFFFF60]  }
0x49: {  	[tilespmem:s22+$0xFFFFFFC0] =	vst v9;
	v9 =	vld [tilespmem:s17+$0xFFFFFFD0];
	v11 =	vadd.f32 v11, v2  }
0x4a: {  	s20 =	simm.s32 $0x10D00;
	[tilespmem:s22+$0xFFFFFF40] =	vst v8;
	v8 =	vadd.f32 v13, v1;
	v12 =	vld [tilespmem:s17+$0xFFFFFEE0]  }
0x4b: {  	v13 =	vadd.f32 v14, v3;
	[tilespmem:s20+$0x0] =	vst v11;
	v11 =	vld [tilespmem:s17+$0xFFFFFE60]  }
0x4c: {  	v14 =	vadd.f32 v15, v0;
	[tilespmem:s20+$0xFFFFFF00] =	vst v8;
	v8 =	vld [tilespmem:s21+$0xFFFFFF20]  }
0x4d: {  	[tilespmem:s20+$0xFFFFFF80] =	vst v13;
	v15 =	vld [tilespmem:s21+$0xFFFFFE20];
	v10 =	vadd.f32 v10, v7  }
0x4e: {  	[tilespmem:s20+$0x80] =	vst v14;
	v13 =	vld [tilespmem:s21+$0xFFFFFEA0];
	v9 =	vadd.f32 v9, v4  }
0x4f: {  	v14 =	vld [tilespmem:s21+$0xFFFFFFA0];
	v12 =	vadd.f32 v12, v6;
	[tilespmem:s22+$0x50] =	vst v10  }
0x50: {  	[tilespmem:s22+$0xC0] =	vst v9;
	v10 =	vadd.f32 v11, v5;
	v11 =	vld [tilespmem:s17+$0xFFFFFF70]  }
0x51: {  	[tilespmem:s22+$0xFFFFFFD0] =	vst v12;
	v9 =	vld [tilespmem:s17+$0xFFFFFFE0];
	v8 =	vadd.f32 v8, v2  }
0x52: {  	v12 =	vadd.f32 v15, v1;
	[tilespmem:s22+$0xFFFFFF50] =	vst v10;
	v10 =	vld [tilespmem:s17+$0xFFFFFEF0]  }
0x53: {  	v13 =	vadd.f32 v13, v3;
	[tilespmem:s20+$0x10] =	vst v8;
	v8 =	vld [tilespmem:s17+$0xFFFFFE70]  }
0x54: {  	v14 =	vadd.f32 v14, v0;
	[tilespmem:s20+$0xFFFFFF10] =	vst v12;
	v12 =	vld [tilespmem:s21+$0xFFFFFF30]  }
0x55: {  	[tilespmem:s20+$0xFFFFFF90] =	vst v13;
	v15 =	vld [tilespmem:s21+$0xFFFFFE30];
	v11 =	vadd.f32 v11, v7  }
0x56: {  	[tilespmem:s20+$0x90] =	vst v14;
	v13 =	vld [tilespmem:s21+$0xFFFFFEB0];
	v9 =	vadd.f32 v9, v4  }
0x57: {  	v16 =	vld [tilespmem:s21+$0xFFFFFFB0];
	v10 =	vadd.f32 v10, v6;
	[tilespmem:s22+$0x60] =	vst v11  }
0x58: {  	[tilespmem:s22+$0xD0] =	vst v9;
	v8 =	vadd.f32 v8, v5;
	v17 =	vld [tilespmem:s17+$0xFFFFFF80]  }
0x59: {  	s23 =	simm.s32 $0x8;
	s31 =	simm.s32 $0x9;
	v18 =	vld [tilespmem:s17+$0xFFFFFFF0];
	v9 =	vadd.f32 v12, v2;
	[tilespmem:s22+$0xFFFFFFE0] =	vst v10  }
0x5a: {  	s24 =	simm.s32 $0xB;
	v11 =	vmov s31;
	v10 =	vadd.f32 v15, v1;
	[tilespmem:s22+$0xFFFFFF60] =	vst v8;
	v12 =	vld [tilespmem:s17+$0xFFFFFF00];
	v8 =	vmov s23  }
0x5b: {  	v13 =	vadd.f32 v13, v3;
	[tilespmem:s20+$0x20] =	vst v9;
	v14 =	vld [tilespmem:s17+$0xFFFFFE80];
	v9 =	vand.u32 $0xFFFFFFFC, v8;
	v8 =	vmov s24  }
0x5c: {  	v16 =	vadd.f32 v16, v0;
	[tilespmem:s20+$0xFFFFFF20] =	vst v10;
	v10 =	vand.u32 $0xFFFFFFFD, v11;
	v15 =	vld [tilespmem:s21+$0xFFFFFF40];
	v9 =	vbroadcast v9, $0x0  }
0x5d: {  	[tilespmem:s20+$0xFFFFFFA0] =	vst v13;
	v11 =	vld [tilespmem:s21+$0xFFFFFE40];
	v10 =	vbroadcast v10, $0x0;
	v17 =	vadd.f32 v17, v7  }
0x5e: {  	s25 =	simm.s32 $0xA;
	s23 =	smov.u32 s17;
	s24 =	simm.s32 $0xC;
	[tilespmem:s20+$0xA0] =	vst v16;
	v13 =	vld [tilespmem:s21+$0xFFFFFEC0];
	v16 =	vadd.f32 v18, v4  }
.LBB2_3:
0x5f: {  	p1 =	slt.u32 s24, $0x7C;
	v7 =	vmov s25;
	v18 =	vld [tilespmem:s21+$0xFFFFFFC0];
	v12 =	vadd.f32 v12, v6;
	[tilespmem:s22+$0x70] =	vst v17;
	v6 =	vmov v3  }
0x60: {  	v3 =	vand.u32 $0xFFFFFFFE, v7;
	v7 =	vld.idx.msk [tilespmem:v8+s12+$0x0], $0xffff;
	v8 =	vadd.f32 v14, v5;
	[tilespmem:s22+$0xE0] =	vst v16;
	v5 =	vmov v1  }
0x61: {  	v14 =	vbroadcast v3, $0x0;
	v15 =	vadd.f32 v15, v2;
	[tilespmem:s22+$0xFFFFFFF0] =	vst v12;
	v12 =	vld [tilespmem:s23+$0x0];
	s23 =	smov.u32 s21  }
0x62: {  	v1 =	vld.idx.msk [tilespmem:v9+s12+$0x0], $0xffff;
	v9 =	vadd.f32 v11, v5;
	[tilespmem:s22+$0xFFFFFF70] =	vst v8  }
0x63: {  	v3 =	vld.idx.msk [tilespmem:v10+s12+$0x0], $0xffff;
	v8 =	vadd.f32 v13, v6;
	[tilespmem:s20+$0x30] =	vst v15  }
0x64: {  	[tilespmem:s20+$0xFFFFFF30] =	vst v9;
	v9 =	vld [tilespmem:s21+$0xFFFFFF50];
	v10 =	vadd.f32 v18, v0  }
0x65: {  	v11 =	vld [tilespmem:s21+$0xFFFFFE50];
	[tilespmem:s20+$0xFFFFFFB0] =	vst v8  }
0x66: {  	v8 =	vld [tilespmem:s21+$0xFFFFFED0];
	[tilespmem:s20+$0xB0] =	vst v10;
	v10 =	vadd.f32 v12, v4;
	v4 =	vmov v0;
	v0 =	vmov v7  }
0x67: {  	s21 =	sadd.s32 $0x200, s21;
	v7 =	vld.idx.msk [tilespmem:v14+s12+$0x0], $0xffff  }
0x68: {  	v12 =	vld [tilespmem:s21+$0xFFFFFF10];
	[tilespmem:s22+$0xF0] =	vst v10;
	s22 =	smov.u32 s20  }
0x69: {  	v10 =	vld [tilespmem:s21+$0xFFFFFE10];
	v9 =	vadd.f32 v9, v2  }
0x6a: {  	v13 =	vld [tilespmem:s21+$0xFFFFFE90];
	v11 =	vadd.f32 v11, v5  }
0x6b: {  	v14 =	vld [tilespmem:s21+$0xFFFFFF90];
	v8 =	vadd.f32 v8, v6;
	[tilespmem:s20+$0x40] =	vst v9  }
0x6c: {  	[tilespmem:s20+$0xFFFFFF40] =	vst v11;
	v9 =	vld [tilespmem:s23+$0xFFFFFF60]  }
0x6d: {  	v11 =	vadd.f32 v12, v7;
	[tilespmem:s20+$0xFFFFFFC0] =	vst v8;
	v8 =	vld [tilespmem:s23+$0xFFFFFFD0]  }
0x6e: {  	s20 =	sadd.s32 $0x200, s20;
	v10 =	vadd.f32 v10, v1;
	v12 =	vld [tilespmem:s23+$0xFFFFFEE0]  }
0x6f: {  	v13 =	vadd.f32 v13, v3;
	[tilespmem:s20+$0x0] =	vst v11;
	v11 =	vld [tilespmem:s23+$0xFFFFFE60]  }
0x70: {  	[tilespmem:s20+$0xFFFFFF00] =	vst v10;
	v10 =	vld [tilespmem:s21+$0xFFFFFF20];
	v14 =	vadd.f32 v14, v0  }
0x71: {  	v15 =	vld [tilespmem:s21+$0xFFFFFE20];
	[tilespmem:s20+$0xFFFFFF80] =	vst v13;
	v9 =	vadd.f32 v9, v2  }
0x72: {  	v13 =	vld [tilespmem:s21+$0xFFFFFEA0];
	[tilespmem:s20+$0x80] =	vst v14;
	v8 =	vadd.f32 v8, v4  }
0x73: {  	v14 =	vld [tilespmem:s21+$0xFFFFFFA0];
	v12 =	vadd.f32 v12, v6;
	[tilespmem:s22+$0x50] =	vst v9  }
0x74: {  	v9 =	vadd.f32 v11, v5;
	v11 =	vld [tilespmem:s23+$0xFFFFFF70];
	[tilespmem:s22+$0xC0] =	vst v8  }
0x75: {  	v8 =	vadd.f32 v10, v7;
	[tilespmem:s22+$0xFFFFFFD0] =	vst v12;
	v10 =	vld [tilespmem:s23+$0xFFFFFFE0]  }
0x76: {  	v12 =	vadd.f32 v15, v1;
	[tilespmem:s22+$0xFFFFFF50] =	vst v9;
	v9 =	vld [tilespmem:s23+$0xFFFFFEF0]  }
0x77: {  	v13 =	vadd.f32 v13, v3;
	[tilespmem:s20+$0x10] =	vst v8;
	v8 =	vld [tilespmem:s23+$0xFFFFFE70]  }
0x78: {  	[tilespmem:s20+$0xFFFFFF10] =	vst v12;
	v12 =	vld [tilespmem:s21+$0xFFFFFF30];
	v14 =	vadd.f32 v14, v0  }
0x79: {  	v15 =	vld [tilespmem:s21+$0xFFFFFE30];
	[tilespmem:s20+$0xFFFFFF90] =	vst v13;
	v11 =	vadd.f32 v11, v2  }
0x7a: {  	v13 =	vld [tilespmem:s21+$0xFFFFFEB0];
	[tilespmem:s20+$0x90] =	vst v14;
	v10 =	vadd.f32 v10, v4  }
0x7b: {  	v16 =	vld [tilespmem:s21+$0xFFFFFFB0];
	v9 =	vadd.f32 v9, v6;
	[tilespmem:s22+$0x60] =	vst v11  }
0x7c: {  	v11 =	vadd.f32 v8, v5;
	v17 =	vld [tilespmem:s23+$0xFFFFFF80];
	[tilespmem:s22+$0xD0] =	vst v10  }
0x7d: {  	s25 =	sadd.s32 $0x3, s24;
	v10 =	vadd.f32 v12, v7;
	[tilespmem:s22+$0xFFFFFFE0] =	vst v9;
	v18 =	vld [tilespmem:s23+$0xFFFFFFF0]  }
.Ltmp0:
0x7e: {  	s26 =	sadd.s32 $0x1, s24;
	v8 =	vmov s25;
	v9 =	vmov s24;
	v15 =	vadd.f32 v15, v1;
	[tilespmem:s22+$0xFFFFFF60] =	vst v11;
	v12 =	vld [tilespmem:s23+$0xFFFFFF00];
	(pc) =	sbr.rel @p1 .LBB2_3-.Ltmp0, $4  }
0x7f: {  	v9 =	vand.u32 $0xFFFFFFFC, v9;
	v11 =	vmov s26;
	v13 =	vadd.f32 v13, v3;
	[tilespmem:s20+$0x20] =	vst v10;
	v14 =	vld [tilespmem:s23+$0xFFFFFE80]  }
0x80: {  	v9 =	vbroadcast v9, $0x0;
	v10 =	vand.u32 $0xFFFFFFFD, v11;
	[tilespmem:s20+$0xFFFFFF20] =	vst v15;
	v15 =	vld [tilespmem:s21+$0xFFFFFF40];
	v16 =	vadd.f32 v16, v0  }
0x81: {  	v10 =	vbroadcast v10, $0x0;
	v11 =	vld [tilespmem:s21+$0xFFFFFE40];
	[tilespmem:s20+$0xFFFFFFA0] =	vst v13;
	v17 =	vadd.f32 v17, v2;
	v2 =	vmov v7  }
0x82: {  	s25 =	sadd.s32 $0x2, s24;
	s24 =	sadd.s32 $0x4, s24;
	v13 =	vld [tilespmem:s21+$0xFFFFFEC0];
	[tilespmem:s20+$0xA0] =	vst v16;
	v16 =	vadd.f32 v18, v4  }
0x83: {  	v7 =	vmov s25  }
0x84: {  	v7 =	vand.u32 $0xFFFFFFFE, v7  }
0x85: {  	v18 =	vbroadcast v7, $0x0;
	_ =	sdelay $0x2  }
0x86: {  	v7 =	vld.idx.msk [tilespmem:v8+s12+$0x0], $0xffff  }
0x87: {  	v8 =	vld.idx.msk [tilespmem:v9+s12+$0x0], $0xffff  }
0x88: {  	v9 =	vld.idx.msk [tilespmem:v10+s12+$0x0], $0xffff  }
0x89: {  	s31 =	sadd.s32 $0x200, s21;
	v10 =	vld.idx.msk [tilespmem:v18+s12+$0x0], $0xffff  }
0x8a: {  	v18 =	vld [tilespmem:s31+$0xFFFFFF10]  }
0x8b: {  	v19 =	vld [tilespmem:s31+$0xFFFFFE90]  }
0x8c: {  	v20 =	vld [tilespmem:s31+$0xFFFFFE10]  }
0x8d: {  	v21 =	vld [tilespmem:s31+$0xFFFFFF90];
	_ =	sdelay $0x1  }
0x8e: {  	v18 =	vadd.f32 v18, v10  }
0x8f: {  	s24 =	sadd.s32 $0x200, s20;
	v19 =	vadd.f32 v19, v9  }
0x90: {  	v20 =	vadd.f32 v20, v8;
	[tilespmem:s24+$0x0] =	vst v18  }
0x91: {  	v21 =	vadd.f32 v21, v7;
	[tilespmem:s24+$0xFFFFFF80] =	vst v19;
	v18 =	vld [tilespmem:s31+$0xFFFFFF20]  }
0x92: {  	[tilespmem:s24+$0xFFFFFF00] =	vst v20;
	v19 =	vld [tilespmem:s31+$0xFFFFFEA0]  }
0x93: {  	[tilespmem:s24+$0x80] =	vst v21;
	v20 =	vld [tilespmem:s31+$0xFFFFFE20]  }
0x94: {  	v21 =	vld [tilespmem:s31+$0xFFFFFFA0];
	_ =	sdelay $0x1  }
0x95: {  	v18 =	vadd.f32 v18, v10  }
0x96: {  	[tilespmem:s22+$0x70] =	vst v17;
	v17 =	vadd.f32 v19, v9  }
0x97: {  	v19 =	vadd.f32 v20, v8;
	[tilespmem:s24+$0x10] =	vst v18  }
0x98: {  	v20 =	vadd.f32 v21, v7;
	[tilespmem:s24+$0xFFFFFF90] =	vst v17;
	v18 =	vld [tilespmem:s31+$0xFFFFFF30]  }
0x99: {  	[tilespmem:s24+$0xFFFFFF10] =	vst v19;
	v17 =	vld [tilespmem:s31+$0xFFFFFEB0]  }
0x9a: {  	v6 =	vadd.f32 v12, v6;
	[tilespmem:s24+$0x90] =	vst v20;
	v12 =	vld [tilespmem:s31+$0xFFFFFE30]  }
0x9b: {  	v5 =	vadd.f32 v14, v5;
	[tilespmem:s22+$0xE0] =	vst v16;
	v14 =	vld [tilespmem:s31+$0xFFFFFFB0]  }
0x9c: {  	v15 =	vadd.f32 v15, v2;
	[tilespmem:s22+$0xFFFFFFF0] =	vst v6  }
0x9d: {  	[tilespmem:s22+$0xFFFFFF70] =	vst v5;
	v5 =	vadd.f32 v18, v10  }
0x9e: {  	v6 =	vld [tilespmem:s21+$0xFFFFFFC0];
	[tilespmem:s20+$0x30] =	vst v15;
	v15 =	vadd.f32 v17, v9  }
0x9f: {  	v16 =	vld [tilespmem:s23+$0x0];
	v12 =	vadd.f32 v12, v8;
	[tilespmem:s24+$0x20] =	vst v5  }
0xa0: {  	v14 =	vadd.f32 v14, v7;
	[tilespmem:s24+$0xFFFFFFA0] =	vst v15;
	v5 =	vld [tilespmem:s31+$0xFFFFFF40]  }
0xa1: {  	v11 =	vadd.f32 v11, v1;
	[tilespmem:s24+$0xFFFFFF20] =	vst v12;
	v12 =	vld [tilespmem:s31+$0xFFFFFEC0]  }
0xa2: {  	v13 =	vadd.f32 v13, v3;
	[tilespmem:s24+$0xA0] =	vst v14;
	v15 =	vld [tilespmem:s31+$0xFFFFFE40]  }
0xa3: {  	[tilespmem:s20+$0xFFFFFF30] =	vst v11;
	v6 =	vadd.f32 v6, v0;
	v11 =	vld [tilespmem:s31+$0xFFFFFFC0]  }
0xa4: {  	[tilespmem:s20+$0xFFFFFFB0] =	vst v13;
	v4 =	vadd.f32 v16, v4;
	v14 =	vld [tilespmem:s21+$0xFFFFFF50]  }
0xa5: {  	v13 =	vld [tilespmem:s21+$0xFFFFFED0];
	[tilespmem:s20+$0xB0] =	vst v6;
	v5 =	vadd.f32 v5, v10  }
0xa6: {  	v6 =	vld [tilespmem:s21+$0xFFFFFE50];
	[tilespmem:s22+$0xF0] =	vst v4;
	v4 =	vadd.f32 v12, v9  }
0xa7: {  	v12 =	vld [tilespmem:s21+$0xFFFFFFD0];
	v15 =	vadd.f32 v15, v8;
	[tilespmem:s24+$0x30] =	vst v5  }
0xa8: {  	v11 =	vadd.f32 v11, v7;
	[tilespmem:s24+$0xFFFFFFB0] =	vst v4;
	v5 =	vld [tilespmem:s31+$0xFFFFFF50]  }
0xa9: {  	v4 =	vadd.f32 v14, v2;
	[tilespmem:s24+$0xFFFFFF30] =	vst v15;
	v14 =	vld [tilespmem:s31+$0xFFFFFED0]  }
0xaa: {  	v13 =	vadd.f32 v13, v3;
	[tilespmem:s24+$0xB0] =	vst v11;
	v15 =	vld [tilespmem:s31+$0xFFFFFE50]  }
0xab: {  	v6 =	vadd.f32 v6, v1;
	[tilespmem:s20+$0x40] =	vst v4;
	v4 =	vld [tilespmem:s31+$0xFFFFFFD0]  }
0xac: {  	[tilespmem:s20+$0xFFFFFFC0] =	vst v13;
	v11 =	vld [tilespmem:s21+$0xFFFFFF60];
	v12 =	vadd.f32 v12, v0  }
0xad: {  	[tilespmem:s20+$0xFFFFFF40] =	vst v6;
	v6 =	vld [tilespmem:s21+$0xFFFFFEE0];
	v5 =	vadd.f32 v5, v10  }
0xae: {  	v13 =	vld [tilespmem:s21+$0xFFFFFE60];
	[tilespmem:s20+$0xC0] =	vst v12;
	v12 =	vadd.f32 v14, v9  }
0xaf: {  	v14 =	vld [tilespmem:s21+$0xFFFFFFE0];
	v15 =	vadd.f32 v15, v8;
	[tilespmem:s24+$0x40] =	vst v5  }
0xb0: {  	v4 =	vadd.f32 v4, v7;
	[tilespmem:s24+$0xFFFFFFC0] =	vst v12;
	v5 =	vld [tilespmem:s31+$0xFFFFFF60]  }
0xb1: {  	v11 =	vadd.f32 v11, v2;
	[tilespmem:s24+$0xFFFFFF40] =	vst v15;
	v12 =	vld [tilespmem:s31+$0xFFFFFEE0]  }
0xb2: {  	v6 =	vadd.f32 v6, v3;
	v15 =	vld [tilespmem:s31+$0xFFFFFE60];
	[tilespmem:s24+$0xC0] =	vst v4  }
0xb3: {  	v4 =	vadd.f32 v13, v1;
	[tilespmem:s20+$0x50] =	vst v11;
	v11 =	vld [tilespmem:s31+$0xFFFFFFE0]  }
0xb4: {  	[tilespmem:s20+$0xFFFFFFD0] =	vst v6;
	v13 =	vld [tilespmem:s21+$0xFFFFFF70];
	v6 =	vadd.f32 v14, v0  }
0xb5: {  	[tilespmem:s20+$0xFFFFFF50] =	vst v4;
	v4 =	vld [tilespmem:s21+$0xFFFFFEF0];
	v5 =	vadd.f32 v5, v10  }
0xb6: {  	v14 =	vld [tilespmem:s21+$0xFFFFFE70];
	[tilespmem:s20+$0xD0] =	vst v6;
	v6 =	vadd.f32 v12, v9  }
0xb7: {  	v12 =	vld [tilespmem:s21+$0xFFFFFFF0];
	[tilespmem:s24+$0x50] =	vst v5;
	v5 =	vadd.f32 v15, v8  }
0xb8: {  	[tilespmem:s24+$0xFFFFFFD0] =	vst v6;
	v6 =	vadd.f32 v11, v7;
	v15 =	vld [tilespmem:s31+$0xFFFFFF70]  }
0xb9: {  	v11 =	vadd.f32 v13, v2;
	[tilespmem:s24+$0xFFFFFF50] =	vst v5;
	v5 =	vld [tilespmem:s31+$0xFFFFFEF0]  }
0xba: {  	v4 =	vadd.f32 v4, v3;
	[tilespmem:s24+$0xD0] =	vst v6;
	v13 =	vld [tilespmem:s31+$0xFFFFFE70]  }
0xbb: {  	[tilespmem:s20+$0x60] =	vst v11;
	v6 =	vadd.f32 v14, v1;
	v11 =	vld [tilespmem:s31+$0xFFFFFFF0]  }
0xbc: {  	[tilespmem:s20+$0xFFFFFFE0] =	vst v4;
	v14 =	vld [tilespmem:s21+$0xFFFFFF80];
	v4 =	vadd.f32 v12, v0  }
0xbd: {  	[tilespmem:s20+$0xFFFFFF60] =	vst v6;
	v6 =	vld [tilespmem:s21+$0xFFFFFF00];
	v12 =	vadd.f32 v15, v10  }
0xbe: {  	[tilespmem:s20+$0xE0] =	vst v4;
	v15 =	vld [tilespmem:s21+$0xFFFFFE80];
	v4 =	vadd.f32 v5, v9  }
0xbf: {  	v5 =	vld [tilespmem:s21+$0x0];
	[tilespmem:s24+$0x60] =	vst v12;
	v12 =	vadd.f32 v13, v8  }
0xc0: {  	v13 =	vld [tilespmem:s31+$0xFFFFFF80];
	[tilespmem:s24+$0xFFFFFFE0] =	vst v4;
	v4 =	vadd.f32 v11, v7  }
0xc1: {  	v2 =	vadd.f32 v14, v2;
	[tilespmem:s24+$0xFFFFFF60] =	vst v12;
	v11 =	vld [tilespmem:s31+$0xFFFFFF00]  }
0xc2: {  	v3 =	vadd.f32 v6, v3;
	v6 =	vld [tilespmem:s31+$0xFFFFFE80];
	[tilespmem:s24+$0xE0] =	vst v4  }
0xc3: {  	[tilespmem:s20+$0x70] =	vst v2;
	v1 =	vadd.f32 v15, v1;
	v2 =	vld [tilespmem:s31+$0x0]  }
0xc4: {  	[tilespmem:s20+$0xFFFFFFF0] =	vst v3;
	v0 =	vadd.f32 v5, v0  }
0xc5: {  	[tilespmem:s20+$0xFFFFFF70] =	vst v1;
	v1 =	vadd.f32 v13, v10  }
0xc6: {  	[tilespmem:s20+$0xF0] =	vst v0;
	v0 =	vadd.f32 v11, v9  }
0xc7: {  	[tilespmem:s24+$0x70] =	vst v1;
	v1 =	vadd.f32 v6, v8  }
0xc8: {  	s25 =	sor.u32 s5, s19;
	s30 =	simm.s32 $0x80;
	[tilespmem:s24+$0xFFFFFFF0] =	vst v0;
	v0 =	vadd.f32 v2, v7  }
0xc9: {  	s29 =	simm.s32 $0x83;
	v3 =	vmov s30;
	s31 =	simm.s32 $0x81;
	s20 =	sshll.u32 s25, $0xD;
	[tilespmem:s24+$0xFFFFFF70] =	vst v1  }
0xca: {  	s28 =	simm.s32 $0x82;
	s22 =	simm.s32 @!p0 $0x1;
	v3 =	vand.u32 $0xFFFFFFFC, v3;
	v4 =	vmov s31;
	s26 =	sadd.s32 s3, s20;
	v2 =	vmov s29;
	[tilespmem:s24+$0xF0] =	vst v0  }
0xcb: {  	v3 =	vbroadcast v3, $0x0;
	v4 =	vand.u32 $0xFFFFFFFD, v4;
	v0 =	vmov s18;
	[hbm4b:s26+s4] =	stream.linear.scatter [tilespmem:s13], [sflag:$0x1], $0x4000, $0x38;
	[tilespmem:$0x18A00] =	vst v63  }
0xcc: {  	v4 =	vbroadcast v4, $0x0;
	v1 =	vmov s28;
	_ =	swait.ge @!p0 [sflag:s22], $0x4000  }
0xcd: {  	v1 =	vand.u32 $0xFFFFFFFE, v1;
	[sflag:s22] =	ssyncset.done @!p0 $0x0  }
0xce: {  	v1 =	vbroadcast v1, $0x0;
	[sflag:s22] =	ssyncadd.s32 @!p0 $0xFFFFC000  }
0xcf: {  	s22 =	simm.s32 $0x0;
	v6 =	vld.idx.msk [tilespmem:v2+s12+$0x0], $0xffff  }
0xd0: {  	v2 =	vld.idx.msk [tilespmem:v0+s22+$0x4880 ss:$0x1], $0xffff  }
0xd1: {  	v8 =	vld.idx.msk [tilespmem:v3+s12+$0x0], $0xffff  }
0xd2: {  	v7 =	vld.idx.msk [tilespmem:v4+s12+$0x0], $0xffff  }
0xd3: {  	v3 =	vld.idx.msk [tilespmem:v0+s22+$0x4800 ss:$0x1], $0xffff  }
0xd4: {  	v10 =	vld.idx.msk [tilespmem:v1+s12+$0x0], $0xffff;
	_ =	sdelay $0x2  }
0xd5: {  	v1 =	vld.idx.msk [tilespmem:v0+s22+$0x4780 ss:$0x1], $0xffff  }
0xd6: {  	v3 =	vadd.f32 v3, v7  }
0xd7: {  	v4 =	vld.idx.msk [tilespmem:v0+s22+$0x4900 ss:$0x1], $0xffff;
	v2 =	vadd.f32 v2, v10  }
0xd8: {  	[tilespmem:s22+$0x14A80] =	vst v3  }
0xd9: {  	v3 =	vld.idx.msk [tilespmem:v0+s22+$0x4810 ss:$0x1], $0xffff;
	[tilespmem:s22+$0x14B00] =	vst v2  }
0xda: {  	v1 =	vadd.f32 v1, v8;
	v2 =	vld.idx.msk [tilespmem:v0+s22+$0x4890 ss:$0x1], $0xffff;
	_ =	sdelay $0x1  }
0xdb: {  	[tilespmem:s22+$0x14A00] =	vst v1;
	v1 =	vadd.f32 v4, v6  }
0xdc: {  	v4 =	vld.idx.msk [tilespmem:v0+s22+$0x4790 ss:$0x1], $0xffff  }
0xdd: {  	[tilespmem:s22+$0x14B80] =	vst v1;
	v3 =	vadd.f32 v3, v7  }
0xde: {  	v1 =	vld.idx.msk [tilespmem:v0+s22+$0x4910 ss:$0x1], $0xffff;
	v2 =	vadd.f32 v2, v10  }
0xdf: {  	[tilespmem:s22+$0x14A90] =	vst v3  }
0xe0: {  	v12 =	vld.idx.msk [tilespmem:v0+s22+$0x4820 ss:$0x1], $0xffff;
	[tilespmem:s22+$0x14B10] =	vst v2  }
0xe1: {  	s23 =	simm.s32 $0x87;
	s24 =	simm.s32 $0x84;
	v2 =	vadd.f32 v4, v8;
	v4 =	vld.idx.msk [tilespmem:v0+s22+$0x48A0 ss:$0x1], $0xffff  }
0xe2: {  	v5 =	vmov s23;
	s25 =	simm.s32 $0x85;
	v9 =	vmov s24  }
0xe3: {  	v11 =	vmov s25;
	v9 =	vand.u32 $0xFFFFFFFC, v9;
	v1 =	vadd.f32 v1, v6;
	[tilespmem:s22+$0x14A10] =	vst v2  }
0xe4: {  	s21 =	simm.s32 $0x200;
	v2 =	vbroadcast v9, $0x0;
	v9 =	vand.u32 $0xFFFFFFFD, v11;
	v11 =	vld.idx.msk [tilespmem:v0+s22+$0x47A0 ss:$0x1], $0xffff  }
0xe5: {  	v14 =	vld.idx.msk [tilespmem:v0+s21+$0x4780 ss:$0x1], $0xffff;
	[tilespmem:s22+$0x14B90] =	vst v1;
	v9 =	vbroadcast v9, $0x0;
	v12 =	vadd.f32 v12, v7  }
0xe6: {  	v13 =	vld.idx.msk [tilespmem:v0+s22+$0x4920 ss:$0x1], $0xffff;
	v3 =	vadd.f32 v4, v10  }
0xe7: {  	s26 =	simm.s32 $0x86;
	v1 =	vld.idx.msk [tilespmem:v5+s12+$0x0], $0xffff;
	[tilespmem:s22+$0x14AA0] =	vst v12  }
0xe8: {  	v12 =	vld.idx.msk [tilespmem:v0+s22+$0x4830 ss:$0x1], $0xffff;
	[tilespmem:s22+$0x14B20] =	vst v3;
	v3 =	vmov s26  }
0xe9: {  	v4 =	vadd.f32 v11, v8;
	v5 =	vld.idx.msk [tilespmem:v0+s22+$0x48B0 ss:$0x1], $0xffff;
	v11 =	vand.u32 $0xFFFFFFFE, v3  }
0xea: {  	v3 =	vld.idx.msk [tilespmem:v2+s12+$0x0], $0xffff;
	v11 =	vbroadcast v11, $0x0  }
0xeb: {  	v2 =	vld.idx.msk [tilespmem:v9+s12+$0x0], $0xffff;
	[tilespmem:s22+$0x14A20] =	vst v4;
	v4 =	vadd.f32 v13, v6  }
0xec: {  	v9 =	vld.idx.msk [tilespmem:v0+s22+$0x47B0 ss:$0x1], $0xffff  }
0xed: {  	v16 =	vld.idx.msk [tilespmem:v0+s21+$0x4800 ss:$0x1], $0xffff;
	[tilespmem:s22+$0x14BA0] =	vst v4  }
0xee: {  	v13 =	vld.idx.msk [tilespmem:v0+s22+$0x4930 ss:$0x1], $0xffff;
	v4 =	vadd.f32 v5, v10  }
0xef: {  	v12 =	vadd.f32 v12, v7;
	v5 =	vld.idx.msk [tilespmem:v0+s21+$0x4880 ss:$0x1], $0xffff  }
0xf0: {  	[tilespmem:s22+$0x14B30] =	vst v4;
	v4 =	vld.idx.msk [tilespmem:v11+s12+$0x0], $0xffff  }
0xf1: {  	s28 =	simm.s32 $0x8B;
	[tilespmem:s22+$0x14AB0] =	vst v12;
	v9 =	vadd.f32 v9, v8;
	v11 =	vld.idx.msk [tilespmem:v0+s22+$0x48C0 ss:$0x1], $0xffff  }
0xf2: {  	v15 =	vmov s28;
	v14 =	vadd.f32 v14, v3;
	v17 =	vld.idx.msk [tilespmem:v0+s22+$0x4840 ss:$0x1], $0xffff  }
0xf3: {  	[tilespmem:s22+$0x14A30] =	vst v9;
	v9 =	vadd.f32 v13, v6;
	v13 =	vld.idx.msk [tilespmem:v0+s21+$0x4900 ss:$0x1], $0xffff  }
0xf4: {  	[tilespmem:s21+$0x14A00] =	vst v14;
	v12 =	vld.idx.msk [tilespmem:v0+s22+$0x47C0 ss:$0x1], $0xffff  }
0xf5: {  	v14 =	vld.idx.msk [tilespmem:v0+s21+$0x4790 ss:$0x1], $0xffff;
	[tilespmem:s22+$0x14BB0] =	vst v9;
	v9 =	vadd.f32 v5, v4  }
0xf6: {  	s29 =	simm.s32 $0x88;
	v18 =	vld.idx.msk [tilespmem:v0+s22+$0x4940 ss:$0x1], $0xffff;
	v11 =	vadd.f32 v11, v10  }
0xf7: {  	v5 =	vld.idx.msk [tilespmem:v15+s12+$0x0], $0xffff;
	v15 =	vadd.f32 v16, v2;
	[tilespmem:s21+$0x14B00] =	vst v9;
	v9 =	vmov s29  }
0xf8: {  	v16 =	vld.idx.msk [tilespmem:v0+s21+$0x4890 ss:$0x1], $0xffff;
	[tilespmem:s22+$0x14B40] =	vst v11;
	v9 =	vand.u32 $0xFFFFFFFC, v9;
	v11 =	vadd.f32 v13, v1  }
0xf9: {  	[tilespmem:s21+$0x14A80] =	vst v15;
	v12 =	vadd.f32 v12, v8;
	v13 =	vld.idx.msk [tilespmem:v0+s22+$0x48D0 ss:$0x1], $0xffff;
	v9 =	vbroadcast v9, $0x0  }
0xfa: {  	v15 =	vld.idx.msk [tilespmem:v0+s21+$0x4810 ss:$0x1], $0xffff;
	[tilespmem:s21+$0x14B80] =	vst v11;
	v11 =	vadd.f32 v17, v7  }
0xfb: {  	[tilespmem:s22+$0x14A40] =	vst v12;
	v12 =	vadd.f32 v18, v6;
	v17 =	vld.idx.msk [tilespmem:v0+s21+$0x4910 ss:$0x1], $0xffff  }
0xfc: {  	v18 =	vld.idx.msk [tilespmem:v0+s22+$0x47D0 ss:$0x1], $0xffff;
	[tilespmem:s22+$0x14AC0] =	vst v11  }
0xfd: {  	[tilespmem:s22+$0x14BC0] =	vst v12;
	v11 =	vadd.f32 v16, v4;
	v16 =	vld.idx.msk [tilespmem:v0+s22+$0x4850 ss:$0x1], $0xffff  }
0xfe: {  	v14 =	vadd.f32 v14, v3;
	v12 =	vadd.f32 v13, v10;
	v13 =	vld.idx.msk [tilespmem:v0+s22+$0x4950 ss:$0x1], $0xffff  }
0xff: {  	s30 =	simm.s32 $0x89;
	v9 =	vld.idx.msk [tilespmem:v9+s12+$0x0], $0xffff;
	[tilespmem:s21+$0x14B10] =	vst v11  }
0x100: {  	[tilespmem:s21+$0x14A10] =	vst v14;
	v15 =	vadd.f32 v15, v2;
	v11 =	vmov s30;
	v19 =	vld.idx.msk [tilespmem:v0+s21+$0x48A0 ss:$0x1], $0xffff  }
0x101: {  	[tilespmem:s22+$0x14B50] =	vst v12;
	v11 =	vand.u32 $0xFFFFFFFD, v11;
	v12 =	vadd.f32 v17, v1;
	v17 =	vld.idx.msk [tilespmem:v0+s21+$0x47A0 ss:$0x1], $0xffff  }
0x102: {  	[tilespmem:s21+$0x14A90] =	vst v15;
	v15 =	vadd.f32 v18, v8;
	v14 =	vld.idx.msk [tilespmem:v0+s22+$0x48E0 ss:$0x1], $0xffff;
	v11 =	vbroadcast v11, $0x0  }
0x103: {  	v18 =	vld.idx.msk [tilespmem:v0+s21+$0x4820 ss:$0x1], $0xffff;
	[tilespmem:s21+$0x14B90] =	vst v12;
	v12 =	vadd.f32 v16, v7  }
0x104: {  	[tilespmem:s22+$0x14A50] =	vst v15;
	v16 =	vld.idx.msk [tilespmem:v0+s21+$0x4920 ss:$0x1], $0xffff;
	v13 =	vadd.f32 v13, v6  }
0x105: {  	v15 =	vld.idx.msk [tilespmem:v0+s22+$0x47E0 ss:$0x1], $0xffff;
	[tilespmem:s22+$0x14AD0] =	vst v12  }
0x106: {  	v12 =	vadd.f32 v19, v4;
	v19 =	vld.idx.msk [tilespmem:v0+s22+$0x4860 ss:$0x1], $0xffff;
	[tilespmem:s22+$0x14BD0] =	vst v13  }
0x107: {  	v17 =	vadd.f32 v17, v3;
	v13 =	vadd.f32 v14, v10;
	v14 =	vld.idx.msk [tilespmem:v0+s22+$0x4960 ss:$0x1], $0xffff  }
0x108: {  	v11 =	vld.idx.msk [tilespmem:v11+s12+$0x0], $0xffff;
	[tilespmem:s21+$0x14B20] =	vst v12  }
0x109: {  	s31 =	simm.s32 $0x8A;
	v12 =	vadd.f32 v18, v2;
	[tilespmem:s21+$0x14A20] =	vst v17;
	v18 =	vld.idx.msk [tilespmem:v0+s21+$0x48B0 ss:$0x1], $0xffff  }
0x10a: {  	[tilespmem:s22+$0x14B60] =	vst v13;
	v13 =	vmov s31;
	v16 =	vadd.f32 v16, v1;
	v20 =	vld.idx.msk [tilespmem:v0+s21+$0x47B0 ss:$0x1], $0xffff  }
0x10b: {  	v17 =	vld.idx.msk [tilespmem:v0+s22+$0x48F0 ss:$0x1], $0xffff;
	v13 =	vand.u32 $0xFFFFFFFE, v13;
	[tilespmem:s21+$0x14AA0] =	vst v12;
	v12 =	vadd.f32 v15, v8  }
0x10c: {  	v63 =	vbroadcast v13, $0x0;
	v22 =	vld.idx.msk [tilespmem:v0+s21+$0x4830 ss:$0x1], $0xffff;
	[tilespmem:s21+$0x14BA0] =	vst v16;
	v13 =	vadd.f32 v19, v7  }
0x10d: {  	v16 =	vld.idx.msk [tilespmem:v0+s21+$0x4930 ss:$0x1], $0xffff;
	[tilespmem:s22+$0x14A60] =	vst v12;
	v12 =	vadd.f32 v14, v6  }
0x10e: {  	v15 =	vld.idx.msk [tilespmem:v0+s22+$0x47F0 ss:$0x1], $0xffff;
	[tilespmem:s22+$0x14AE0] =	vst v13  }
0x10f: {  	v18 =	vadd.f32 v18, v4;
	v13 =	vld.idx.msk [tilespmem:v0+s22+$0x4870 ss:$0x1], $0xffff;
	[tilespmem:s22+$0x14BE0] =	vst v12  }
0x110: {  	s23 =	simm.s32 $0x400;
	v19 =	vadd.f32 v20, v3;
	v14 =	vld.idx.msk [tilespmem:v0+s22+$0x4970 ss:$0x1], $0xffff  }
0x111: {  	v12 =	vadd.f32 v17, v10;
	v17 =	vld.idx.msk [tilespmem:v0+s23+$0x4880 ss:$0x1], $0xffff;
	[tilespmem:s21+$0x14B30] =	vst v18  }
0x112: {  	v18 =	vadd.f32 v22, v2;
	[tilespmem:s21+$0x14A30] =	vst v19;
	v10 =	vld.idx.msk [tilespmem:v63+s12+$0x0], $0xffff  }
0x113: {  	s25 =	simm.s32 $0x1000;
	s24 =	simm.s32 $0x8;
	[tilespmem:s22+$0x14B70] =	vst v12;
	v12 =	vld.idx.msk [tilespmem:v0+s21+$0x48C0 ss:$0x1], $0xffff;
	v16 =	vadd.f32 v16, v1  }
.LBB2_5:
0x114: {  	s26 =	sadd.s32 $0x87, s24;
	v19 =	vld.idx.msk [tilespmem:v0+s23+$0x4780 ss:$0x1], $0xffff;
	[tilespmem:s21+$0x14AB0] =	vst v18;
	v15 =	vadd.f32 v15, v8;
	v8 =	vmov v3;
	v3 =	vmov v9  }
0x115: {  	v13 =	vadd.f32 v13, v7;
	v7 =	vmovc v2;
	v2 =	vmov v11;
	v9 =	vmov s26;
	v18 =	vld.idx.msk [tilespmem:v0+s23+$0x4800 ss:$0x1], $0xffff;
	[tilespmem:s21+$0x14BB0] =	vst v16  }
0x116: {  	v14 =	vadd.f32 v14, v6;
	v6 =	vmov v1;
	v1 =	vmov v5;
	v11 =	vld.idx.msk [tilespmem:v0+s23+$0x4900 ss:$0x1], $0xffff;
	[tilespmem:s22+$0x14A70] =	vst v15  }
0x117: {  	v15 =	vld.idx.msk [tilespmem:v0+s21+$0x47C0 ss:$0x1], $0xffff;
	[tilespmem:s22+$0x14AF0] =	vst v13  }
0x118: {  	v13 =	vadd.f32 v17, v10;
	v16 =	vld.idx.msk [tilespmem:v0+s21+$0x4840 ss:$0x1], $0xffff;
	[tilespmem:s22+$0x14BF0] =	vst v14;
	s22 =	smov.u32 s21;
	s21 =	smov.u32 s23  }
0x119: {  	v12 =	vadd.f32 v12, v4;
	v14 =	vld.idx.msk [tilespmem:v0+s22+$0x4940 ss:$0x1], $0xffff  }
0x11a: {  	s23 =	sadd.s32 $0x84, s24;
	v5 =	vld.idx.msk [tilespmem:v9+s12+$0x0], $0xffff;
	v9 =	vadd.f32 v19, v3;
	[tilespmem:s21+$0x14B00] =	vst v13  }
0x11b: {  	v13 =	vmov s23;
	v17 =	vadd.f32 v18, v2;
	v18 =	vld.idx.msk [tilespmem:v0+s21+$0x4890 ss:$0x1], $0xffff;
	[tilespmem:s22+$0x14B40] =	vst v12  }
0x11c: {  	v12 =	vand.u32 $0xFFFFFFFC, v13;
	[tilespmem:s21+$0x14A00] =	vst v9;
	v9 =	vadd.f32 v11, v1;
	v11 =	vld.idx.msk [tilespmem:v0+s22+$0x48D0 ss:$0x1], $0xffff  }
0x11d: {  	v12 =	vbroadcast v12, $0x0;
	v15 =	vadd.f32 v15, v8;
	v13 =	vld.idx.msk [tilespmem:v0+s21+$0x4790 ss:$0x1], $0xffff;
	[tilespmem:s21+$0x14A80] =	vst v17  }
0x11e: {  	v17 =	vld.idx.msk [tilespmem:v0+s21+$0x4810 ss:$0x1], $0xffff;
	[tilespmem:s21+$0x14B80] =	vst v9;
	v9 =	vadd.f32 v16, v7  }
0x11f: {  	v14 =	vadd.f32 v14, v6;
	v16 =	vld.idx.msk [tilespmem:v0+s21+$0x4910 ss:$0x1], $0xffff;
	[tilespmem:s22+$0x14A40] =	vst v15  }
0x120: {  	v15 =	vld.idx.msk [tilespmem:v0+s22+$0x47D0 ss:$0x1], $0xffff;
	[tilespmem:s22+$0x14AC0] =	vst v9  }
0x121: {  	v18 =	vadd.f32 v18, v10;
	v19 =	vld.idx.msk [tilespmem:v0+s22+$0x4850 ss:$0x1], $0xffff;
	[tilespmem:s22+$0x14BC0] =	vst v14  }
0x122: {  	v11 =	vadd.f32 v11, v4;
	v14 =	vld.idx.msk [tilespmem:v0+s22+$0x4950 ss:$0x1], $0xffff  }
0x123: {  	s23 =	sadd.s32 $0x85, s24;
	v9 =	vld.idx.msk [tilespmem:v12+s12+$0x0], $0xffff;
	v12 =	vadd.f32 v13, v3;
	[tilespmem:s21+$0x14B10] =	vst v18  }
0x124: {  	v13 =	vmov s23;
	v17 =	vadd.f32 v17, v2;
	v18 =	vld.idx.msk [tilespmem:v0+s21+$0x48A0 ss:$0x1], $0xffff;
	[tilespmem:s22+$0x14B50] =	vst v11  }
0x125: {  	v11 =	vand.u32 $0xFFFFFFFD, v13;
	[tilespmem:s21+$0x14A10] =	vst v12;
	v12 =	vadd.f32 v16, v1;
	v13 =	vld.idx.msk [tilespmem:v0+s22+$0x48E0 ss:$0x1], $0xffff  }
0x126: {  	v11 =	vbroadcast v11, $0x0;
	v15 =	vadd.f32 v15, v8;
	v16 =	vld.idx.msk [tilespmem:v0+s21+$0x47A0 ss:$0x1], $0xffff;
	[tilespmem:s21+$0x14A90] =	vst v17  }
0x127: {  	v17 =	vld.idx.msk [tilespmem:v0+s21+$0x4820 ss:$0x1], $0xffff;
	[tilespmem:s21+$0x14B90] =	vst v12;
	v12 =	vadd.f32 v19, v7  }
0x128: {  	v14 =	vadd.f32 v14, v6;
	v19 =	vld.idx.msk [tilespmem:v0+s21+$0x4920 ss:$0x1], $0xffff;
	[tilespmem:s22+$0x14A50] =	vst v15  }
0x129: {  	v15 =	vld.idx.msk [tilespmem:v0+s22+$0x47E0 ss:$0x1], $0xffff;
	[tilespmem:s22+$0x14AD0] =	vst v12  }
0x12a: {  	v12 =	vadd.f32 v18, v10;
	v18 =	vld.idx.msk [tilespmem:v0+s22+$0x4860 ss:$0x1], $0xffff;
	[tilespmem:s22+$0x14BD0] =	vst v14  }
0x12b: {  	v13 =	vadd.f32 v13, v4;
	v14 =	vld.idx.msk [tilespmem:v0+s22+$0x4960 ss:$0x1], $0xffff  }
0x12c: {  	v16 =	vadd.f32 v16, v3;
	v11 =	vld.idx.msk [tilespmem:v11+s12+$0x0], $0xffff;
	[tilespmem:s21+$0x14B20] =	vst v12  }
0x12d: {  	s23 =	sadd.s32 $0x86, s24;
	v12 =	vadd.f32 v17, v2;
	v17 =	vld.idx.msk [tilespmem:v0+s21+$0x48B0 ss:$0x1], $0xffff;
	[tilespmem:s22+$0x14B60] =	vst v13  }
0x12e: {  	s24 =	sadd.s32 $0x4, s24;
	v13 =	vmov s23;
	[tilespmem:s21+$0x14A20] =	vst v16;
	v16 =	vadd.f32 v19, v1;
	v19 =	vld.idx.msk [tilespmem:v0+s22+$0x48F0 ss:$0x1], $0xffff  }
0x12f: {  	p0 =	slt.u32 s24, $0x7C;
	v13 =	vand.u32 $0xFFFFFFFE, v13;
	v20 =	vld.idx.msk [tilespmem:v0+s21+$0x47B0 ss:$0x1], $0xffff;
	[tilespmem:s21+$0x14AA0] =	vst v12;
	v12 =	vadd.f32 v15, v8  }
0x130: {  	v21 =	vbroadcast v13, $0x0;
	v13 =	vadd.f32 v18, v7;
	v22 =	vld.idx.msk [tilespmem:v0+s21+$0x4830 ss:$0x1], $0xffff;
	[tilespmem:s21+$0x14BA0] =	vst v16  }
0x131: {  	v16 =	vld.idx.msk [tilespmem:v0+s21+$0x4930 ss:$0x1], $0xffff;
	[tilespmem:s22+$0x14A60] =	vst v12;
	v12 =	vadd.f32 v14, v6  }
0x132: {  	v15 =	vld.idx.msk [tilespmem:v0+s22+$0x47F0 ss:$0x1], $0xffff;
	[tilespmem:s22+$0x14AE0] =	vst v13  }
.Ltmp1:
0x133: {  	s25 =	sadd.s32 $0x800, s25;
	v18 =	vadd.f32 v17, v10;
	v13 =	vld.idx.msk [tilespmem:v0+s22+$0x4870 ss:$0x1], $0xffff;
	[tilespmem:s22+$0x14BE0] =	vst v12;
	(pc) =	sbr.rel @p0 .LBB2_5-.Ltmp1, $4  }
0x134: {  	s23 =	sshra.s32 s25, $0x2;
	v12 =	vadd.f32 v19, v4;
	v4 =	vmov v10;
	v14 =	vld.idx.msk [tilespmem:v0+s22+$0x4970 ss:$0x1], $0xffff  }
0x135: {  	v19 =	vadd.f32 v20, v3;
	v17 =	vld.idx.msk [tilespmem:v0+s23+$0x4880 ss:$0x1], $0xffff;
	[tilespmem:s21+$0x14B30] =	vst v18  }
0x136: {  	v18 =	vadd.f32 v22, v2;
	v10 =	vld.idx.msk [tilespmem:v21+s12+$0x0], $0xffff;
	[tilespmem:s22+$0x14B70] =	vst v12  }
0x137: {  	v16 =	vadd.f32 v16, v1;
	[tilespmem:s21+$0x14A30] =	vst v19;
	v12 =	vld.idx.msk [tilespmem:v0+s21+$0x48C0 ss:$0x1], $0xffff  }
0x138: {  	_ =	sdelay $0x3  }
0x139: {  	v19 =	vld.idx.msk [tilespmem:v0+s23+$0x4780 ss:$0x1], $0xffff  }
0x13a: {  	v20 =	vld.idx.msk [tilespmem:v0+s23+$0x4800 ss:$0x1], $0xffff  }
0x13b: {  	v21 =	vld.idx.msk [tilespmem:v0+s23+$0x4900 ss:$0x1], $0xffff;
	_ =	sdelay $0x1  }
0x13c: {  	v17 =	vadd.f32 v17, v10  }
0x13d: {  	v19 =	vadd.f32 v19, v9  }
0x13e: {  	[tilespmem:s23+$0x14B00] =	vst v17;
	v17 =	vadd.f32 v20, v11  }
0x13f: {  	v20 =	vld.idx.msk [tilespmem:v0+s23+$0x4890 ss:$0x1], $0xffff;
	[tilespmem:s23+$0x14A00] =	vst v19;
	v19 =	vadd.f32 v21, v5  }
0x140: {  	[tilespmem:s23+$0x14A80] =	vst v17;
	v62 =	vld.idx.msk [tilespmem:v0+s23+$0x4790 ss:$0x1], $0xffff  }
0x141: {  	v17 =	vld.idx.msk [tilespmem:v0+s23+$0x4810 ss:$0x1], $0xffff;
	[tilespmem:s23+$0x14B80] =	vst v19  }
0x142: {  	v19 =	vld.idx.msk [tilespmem:v0+s23+$0x4910 ss:$0x1], $0xffff;
	_ =	sdelay $0x1  }
0x143: {  	v20 =	vadd.f32 v20, v10  }
0x144: {  	v21 =	vadd.f32 v62, v9  }
0x145: {  	[tilespmem:s23+$0x14B10] =	vst v20;
	v17 =	vadd.f32 v17, v11  }
0x146: {  	v20 =	vld.idx.msk [tilespmem:v0+s23+$0x48A0 ss:$0x1], $0xffff;
	[tilespmem:s23+$0x14A10] =	vst v21;
	v19 =	vadd.f32 v19, v5  }
0x147: {  	[tilespmem:s23+$0x14A90] =	vst v17;
	v21 =	vld.idx.msk [tilespmem:v0+s23+$0x47A0 ss:$0x1], $0xffff  }
0x148: {  	v17 =	vld.idx.msk [tilespmem:v0+s23+$0x4820 ss:$0x1], $0xffff;
	[tilespmem:s23+$0x14B90] =	vst v19  }
0x149: {  	v19 =	vld.idx.msk [tilespmem:v0+s23+$0x4920 ss:$0x1], $0xffff;
	_ =	sdelay $0x1  }
0x14a: {  	v20 =	vadd.f32 v20, v10  }
0x14b: {  	[tilespmem:s21+$0x14AB0] =	vst v18;
	v18 =	vadd.f32 v21, v9  }
0x14c: {  	[tilespmem:s23+$0x14B20] =	vst v20;
	v17 =	vadd.f32 v17, v11  }
0x14d: {  	v20 =	vld.idx.msk [tilespmem:v0+s23+$0x48B0 ss:$0x1], $0xffff;
	[tilespmem:s23+$0x14A20] =	vst v18;
	v18 =	vadd.f32 v19, v5  }
0x14e: {  	[tilespmem:s23+$0x14AA0] =	vst v17;
	v19 =	vld.idx.msk [tilespmem:v0+s23+$0x47B0 ss:$0x1], $0xffff  }
0x14f: {  	v8 =	vadd.f32 v15, v8;
	v15 =	vld.idx.msk [tilespmem:v0+s23+$0x4830 ss:$0x1], $0xffff;
	[tilespmem:s23+$0x14BA0] =	vst v18  }
0x150: {  	v7 =	vadd.f32 v13, v7;
	[tilespmem:s21+$0x14BB0] =	vst v16;
	v13 =	vld.idx.msk [tilespmem:v0+s23+$0x4930 ss:$0x1], $0xffff  }
0x151: {  	v6 =	vadd.f32 v14, v6;
	[tilespmem:s22+$0x14A70] =	vst v8  }
0x152: {  	v8 =	vld.idx.msk [tilespmem:v0+s21+$0x47C0 ss:$0x1], $0xffff;
	[tilespmem:s22+$0x14AF0] =	vst v7;
	v7 =	vadd.f32 v20, v10  }
0x153: {  	v14 =	vld.idx.msk [tilespmem:v0+s21+$0x4840 ss:$0x1], $0xffff;
	[tilespmem:s22+$0x14BF0] =	vst v6;
	v6 =	vadd.f32 v19, v9  }
0x154: {  	v16 =	vld.idx.msk [tilespmem:v0+s21+$0x4940 ss:$0x1], $0xffff;
	[tilespmem:s23+$0x14B30] =	vst v7;
	v7 =	vadd.f32 v15, v11  }
0x155: {  	[tilespmem:s23+$0x14A30] =	vst v6;
	v6 =	vld.idx.msk [tilespmem:v0+s23+$0x48C0 ss:$0x1], $0xffff;
	v13 =	vadd.f32 v13, v5  }
0x156: {  	v12 =	vadd.f32 v12, v4;
	[tilespmem:s23+$0x14AB0] =	vst v7;
	v7 =	vld.idx.msk [tilespmem:v0+s23+$0x47C0 ss:$0x1], $0xffff  }
0x157: {  	v8 =	vadd.f32 v8, v3;
	[tilespmem:s23+$0x14BB0] =	vst v13;
	v13 =	vld.idx.msk [tilespmem:v0+s23+$0x4840 ss:$0x1], $0xffff  }
0x158: {  	[tilespmem:s21+$0x14B40] =	vst v12;
	v12 =	vadd.f32 v14, v2;
	v14 =	vld.idx.msk [tilespmem:v0+s23+$0x4940 ss:$0x1], $0xffff  }
0x159: {  	[tilespmem:s21+$0x14A40] =	vst v8;
	v8 =	vadd.f32 v16, v1;
	v15 =	vld.idx.msk [tilespmem:v0+s21+$0x48D0 ss:$0x1], $0xffff  }
0x15a: {  	[tilespmem:s21+$0x14AC0] =	vst v12;
	v16 =	vld.idx.msk [tilespmem:v0+s21+$0x47D0 ss:$0x1], $0xffff;
	v6 =	vadd.f32 v6, v10  }
0x15b: {  	v12 =	vld.idx.msk [tilespmem:v0+s21+$0x4850 ss:$0x1], $0xffff;
	[tilespmem:s21+$0x14BC0] =	vst v8;
	v7 =	vadd.f32 v7, v9  }
0x15c: {  	v8 =	vld.idx.msk [tilespmem:v0+s21+$0x4950 ss:$0x1], $0xffff;
	[tilespmem:s23+$0x14B40] =	vst v6;
	v6 =	vadd.f32 v13, v11  }
0x15d: {  	v13 =	vld.idx.msk [tilespmem:v0+s23+$0x48D0 ss:$0x1], $0xffff;
	[tilespmem:s23+$0x14A40] =	vst v7;
	v7 =	vadd.f32 v14, v5  }
0x15e: {  	v14 =	vadd.f32 v15, v4;
	v15 =	vld.idx.msk [tilespmem:v0+s23+$0x47D0 ss:$0x1], $0xffff;
	[tilespmem:s23+$0x14AC0] =	vst v6  }
0x15f: {  	v6 =	vadd.f32 v16, v3;
	v16 =	vld.idx.msk [tilespmem:v0+s23+$0x4850 ss:$0x1], $0xffff;
	[tilespmem:s23+$0x14BC0] =	vst v7  }
0x160: {  	[tilespmem:s21+$0x14B50] =	vst v14;
	v7 =	vadd.f32 v12, v2;
	v12 =	vld.idx.msk [tilespmem:v0+s23+$0x4950 ss:$0x1], $0xffff  }
0x161: {  	v14 =	vld.idx.msk [tilespmem:v0+s21+$0x48E0 ss:$0x1], $0xffff;
	[tilespmem:s21+$0x14A50] =	vst v6;
	v6 =	vadd.f32 v8, v1  }
0x162: {  	v8 =	vld.idx.msk [tilespmem:v0+s21+$0x47E0 ss:$0x1], $0xffff;
	[tilespmem:s21+$0x14AD0] =	vst v7;
	v7 =	vadd.f32 v13, v10  }
0x163: {  	v13 =	vld.idx.msk [tilespmem:v0+s21+$0x4860 ss:$0x1], $0xffff;
	[tilespmem:s21+$0x14BD0] =	vst v6;
	v6 =	vadd.f32 v15, v9  }
0x164: {  	v15 =	vld.idx.msk [tilespmem:v0+s21+$0x4960 ss:$0x1], $0xffff;
	[tilespmem:s23+$0x14B50] =	vst v7;
	v7 =	vadd.f32 v16, v11  }
0x165: {  	v16 =	vld.idx.msk [tilespmem:v0+s23+$0x48E0 ss:$0x1], $0xffff;
	[tilespmem:s23+$0x14A50] =	vst v6;
	v6 =	vadd.f32 v12, v5  }
0x166: {  	v12 =	vadd.f32 v14, v4;
	v14 =	vld.idx.msk [tilespmem:v0+s23+$0x47E0 ss:$0x1], $0xffff;
	[tilespmem:s23+$0x14AD0] =	vst v7  }
0x167: {  	v7 =	vadd.f32 v8, v3;
	v8 =	vld.idx.msk [tilespmem:v0+s23+$0x4860 ss:$0x1], $0xffff;
	[tilespmem:s23+$0x14BD0] =	vst v6  }
0x168: {  	[tilespmem:s21+$0x14B60] =	vst v12;
	v6 =	vadd.f32 v13, v2;
	v12 =	vld.idx.msk [tilespmem:v0+s23+$0x4960 ss:$0x1], $0xffff  }
0x169: {  	v13 =	vld.idx.msk [tilespmem:v0+s21+$0x48F0 ss:$0x1], $0xffff;
	[tilespmem:s21+$0x14A60] =	vst v7;
	v7 =	vadd.f32 v15, v1  }
0x16a: {  	v15 =	vld.idx.msk [tilespmem:v0+s21+$0x47F0 ss:$0x1], $0xffff;
	[tilespmem:s21+$0x14AE0] =	vst v6;
	v6 =	vadd.f32 v16, v10  }
0x16b: {  	v16 =	vld.idx.msk [tilespmem:v0+s21+$0x4870 ss:$0x1], $0xffff;
	[tilespmem:s21+$0x14BE0] =	vst v7;
	v7 =	vadd.f32 v14, v9  }
0x16c: {  	v14 =	vld.idx.msk [tilespmem:v0+s21+$0x4970 ss:$0x1], $0xffff;
	[tilespmem:s23+$0x14B60] =	vst v6;
	v6 =	vadd.f32 v8, v11  }
0x16d: {  	v8 =	vld.idx.msk [tilespmem:v0+s23+$0x48F0 ss:$0x1], $0xffff;
	[tilespmem:s23+$0x14A60] =	vst v7;
	v7 =	vadd.f32 v12, v5  }
0x16e: {  	v4 =	vadd.f32 v13, v4;
	v12 =	vld.idx.msk [tilespmem:v0+s23+$0x47F0 ss:$0x1], $0xffff;
	[tilespmem:s23+$0x14AE0] =	vst v6  }
0x16f: {  	v3 =	vadd.f32 v15, v3;
	v6 =	vld.idx.msk [tilespmem:v0+s23+$0x4870 ss:$0x1], $0xffff;
	[tilespmem:s23+$0x14BE0] =	vst v7  }
0x170: {  	[tilespmem:s21+$0x14B70] =	vst v4;
	v2 =	vadd.f32 v16, v2;
	v4 =	vld.idx.msk [tilespmem:v0+s23+$0x4970 ss:$0x1], $0xffff  }
0x171: {  	[tilespmem:s21+$0x14A70] =	vst v3;
	v1 =	vadd.f32 v14, v1  }
0x172: {  	[tilespmem:s21+$0x14AF0] =	vst v2;
	v2 =	vadd.f32 v8, v10  }
0x173: {  	[tilespmem:s21+$0x14BF0] =	vst v1;
	v1 =	vadd.f32 v12, v9  }
0x174: {  	[tilespmem:s23+$0x14B70] =	vst v2;
	v2 =	vadd.f32 v6, v11  }
0x175: {  	s24 =	simm.s32 $0x100;
	[tilespmem:s23+$0x14A70] =	vst v1;
	v1 =	vadd.f32 v4, v5  }
0x176: {  	s26 =	simm.s32 $0x102;
	s28 =	simm.s32 $0x103;
	v3 =	vmov s24;
	[tilespmem:s23+$0x14AF0] =	vst v2  }
0x177: {  	s29 =	sadd.s32 s20, s7;
	s30 =	simm.s32 $0x0;
	s31 =	simm.s32 $0x101;
	v3 =	vand.u32 $0xFFFFFFFC, v3;
	[tilespmem:s23+$0x14BF0] =	vst v1;
	v1 =	vmov s28  }
0x178: {  	v3 =	vbroadcast v3, $0x0;
	v4 =	vmov s31;
	[hbm4b:s29+s30] =	stream.linear.scatter [tilespmem:s14], [sflag:$0x1], $0x4000, $0x38;
	[tilespmem:$0x18A00] =	vst v63  }
0x179: {  	v2 =	vmov s26;
	v4 =	vand.u32 $0xFFFFFFFD, v4;
	_ =	swait.ge [sflag:s15], $0x4000  }
0x17a: {  	v2 =	vand.u32 $0xFFFFFFFE, v2;
	v4 =	vbroadcast v4, $0x0;
	[sflag:s15] =	ssyncset.done $0x0  }
0x17b: {  	v2 =	vbroadcast v2, $0x0;
	[sflag:s15] =	ssyncadd.s32 $0xFFFFC000  }
0x17c: {  	s22 =	simm.s32 $0x0;
	v6 =	vld.idx.msk [tilespmem:v1+s12+$0x0], $0xffff  }
0x17d: {  	v1 =	vld.idx.msk [tilespmem:v0+s22+$0x8880 ss:$0x1], $0xffff  }
0x17e: {  	v8 =	vld.idx.msk [tilespmem:v3+s12+$0x0], $0xffff  }
0x17f: {  	v3 =	vld.idx.msk [tilespmem:v0+s22+$0x8800 ss:$0x1], $0xffff  }
0x180: {  	v7 =	vld.idx.msk [tilespmem:v4+s12+$0x0], $0xffff  }
0x181: {  	v10 =	vld.idx.msk [tilespmem:v2+s12+$0x0], $0xffff;
	_ =	sdelay $0x2  }
0x182: {  	v2 =	vld.idx.msk [tilespmem:v0+s22+$0x8780 ss:$0x1], $0xffff  }
0x183: {  	v3 =	vadd.f32 v3, v7  }
0x184: {  	v4 =	vld.idx.msk [tilespmem:v0+s22+$0x8900 ss:$0x1], $0xffff;
	v1 =	vadd.f32 v1, v10  }
0x185: {  	[tilespmem:s22+$0x10A80] =	vst v3  }
0x186: {  	[tilespmem:s22+$0x10B00] =	vst v1;
	v3 =	vld.idx.msk [tilespmem:v0+s22+$0x8810 ss:$0x1], $0xffff  }
0x187: {  	v1 =	vadd.f32 v2, v8;
	v2 =	vld.idx.msk [tilespmem:v0+s22+$0x8890 ss:$0x1], $0xffff;
	_ =	sdelay $0x1  }
0x188: {  	[tilespmem:s22+$0x10A00] =	vst v1;
	v1 =	vadd.f32 v4, v6  }
0x189: {  	v4 =	vld.idx.msk [tilespmem:v0+s22+$0x8790 ss:$0x1], $0xffff  }
0x18a: {  	[tilespmem:s22+$0x10B80] =	vst v1;
	v3 =	vadd.f32 v3, v7  }
0x18b: {  	v1 =	vld.idx.msk [tilespmem:v0+s22+$0x8910 ss:$0x1], $0xffff;
	v2 =	vadd.f32 v2, v10  }
0x18c: {  	[tilespmem:s22+$0x10A90] =	vst v3  }
0x18d: {  	[tilespmem:s22+$0x10B10] =	vst v2;
	v12 =	vld.idx.msk [tilespmem:v0+s22+$0x8820 ss:$0x1], $0xffff  }
0x18e: {  	s24 =	simm.s32 $0x104;
	s23 =	simm.s32 $0x107;
	v2 =	vadd.f32 v4, v8;
	v4 =	vld.idx.msk [tilespmem:v0+s22+$0x88A0 ss:$0x1], $0xffff  }
0x18f: {  	s25 =	simm.s32 $0x105;
	v9 =	vmov s24;
	v5 =	vmov s23  }
0x190: {  	v9 =	vand.u32 $0xFFFFFFFC, v9;
	v11 =	vmov s25;
	[tilespmem:s22+$0x10A10] =	vst v2;
	v1 =	vadd.f32 v1, v6  }
0x191: {  	s21 =	simm.s32 $0x200;
	v2 =	vbroadcast v9, $0x0;
	v9 =	vand.u32 $0xFFFFFFFD, v11;
	v11 =	vld.idx.msk [tilespmem:v0+s22+$0x87A0 ss:$0x1], $0xffff  }
0x192: {  	v14 =	vld.idx.msk [tilespmem:v0+s21+$0x8780 ss:$0x1], $0xffff;
	v9 =	vbroadcast v9, $0x0;
	[tilespmem:s22+$0x10B90] =	vst v1;
	v12 =	vadd.f32 v12, v7  }
0x193: {  	v13 =	vld.idx.msk [tilespmem:v0+s22+$0x8920 ss:$0x1], $0xffff;
	v3 =	vadd.f32 v4, v10  }
0x194: {  	s26 =	simm.s32 $0x106;
	v1 =	vld.idx.msk [tilespmem:v5+s12+$0x0], $0xffff;
	[tilespmem:s22+$0x10AA0] =	vst v12  }
0x195: {  	[tilespmem:s22+$0x10B20] =	vst v3;
	v3 =	vmov s26;
	v12 =	vld.idx.msk [tilespmem:v0+s22+$0x8830 ss:$0x1], $0xffff  }
0x196: {  	v4 =	vadd.f32 v11, v8;
	v5 =	vld.idx.msk [tilespmem:v0+s22+$0x88B0 ss:$0x1], $0xffff;
	v11 =	vand.u32 $0xFFFFFFFE, v3  }
0x197: {  	v3 =	vld.idx.msk [tilespmem:v2+s12+$0x0], $0xffff;
	v11 =	vbroadcast v11, $0x0  }
0x198: {  	v2 =	vld.idx.msk [tilespmem:v9+s12+$0x0], $0xffff;
	[tilespmem:s22+$0x10A20] =	vst v4;
	v4 =	vadd.f32 v13, v6  }
0x199: {  	v9 =	vld.idx.msk [tilespmem:v0+s22+$0x87B0 ss:$0x1], $0xffff  }
0x19a: {  	v16 =	vld.idx.msk [tilespmem:v0+s21+$0x8800 ss:$0x1], $0xffff;
	[tilespmem:s22+$0x10BA0] =	vst v4  }
0x19b: {  	v13 =	vld.idx.msk [tilespmem:v0+s22+$0x8930 ss:$0x1], $0xffff;
	v4 =	vadd.f32 v5, v10  }
0x19c: {  	v12 =	vadd.f32 v12, v7;
	v5 =	vld.idx.msk [tilespmem:v0+s21+$0x8880 ss:$0x1], $0xffff  }
0x19d: {  	[tilespmem:s22+$0x10B30] =	vst v4;
	v4 =	vld.idx.msk [tilespmem:v11+s12+$0x0], $0xffff  }
0x19e: {  	s28 =	simm.s32 $0x10B;
	[tilespmem:s22+$0x10AB0] =	vst v12;
	v9 =	vadd.f32 v9, v8;
	v11 =	vld.idx.msk [tilespmem:v0+s22+$0x88C0 ss:$0x1], $0xffff  }
0x19f: {  	v15 =	vmov s28;
	v14 =	vadd.f32 v14, v3;
	v17 =	vld.idx.msk [tilespmem:v0+s22+$0x8840 ss:$0x1], $0xffff  }
0x1a0: {  	[tilespmem:s22+$0x10A30] =	vst v9;
	v9 =	vadd.f32 v13, v6;
	v13 =	vld.idx.msk [tilespmem:v0+s21+$0x8900 ss:$0x1], $0xffff  }
0x1a1: {  	[tilespmem:s21+$0x10A00] =	vst v14;
	v12 =	vld.idx.msk [tilespmem:v0+s22+$0x87C0 ss:$0x1], $0xffff  }
0x1a2: {  	v14 =	vld.idx.msk [tilespmem:v0+s21+$0x8790 ss:$0x1], $0xffff;
	[tilespmem:s22+$0x10BB0] =	vst v9;
	v9 =	vadd.f32 v5, v4  }
0x1a3: {  	s29 =	simm.s32 $0x108;
	v18 =	vld.idx.msk [tilespmem:v0+s22+$0x8940 ss:$0x1], $0xffff;
	v11 =	vadd.f32 v11, v10  }
0x1a4: {  	v5 =	vld.idx.msk [tilespmem:v15+s12+$0x0], $0xffff;
	v15 =	vadd.f32 v16, v2;
	[tilespmem:s21+$0x10B00] =	vst v9;
	v9 =	vmov s29  }
0x1a5: {  	v16 =	vld.idx.msk [tilespmem:v0+s21+$0x8890 ss:$0x1], $0xffff;
	[tilespmem:s22+$0x10B40] =	vst v11;
	v9 =	vand.u32 $0xFFFFFFFC, v9;
	v11 =	vadd.f32 v13, v1  }
0x1a6: {  	[tilespmem:s21+$0x10A80] =	vst v15;
	v12 =	vadd.f32 v12, v8;
	v13 =	vld.idx.msk [tilespmem:v0+s22+$0x88D0 ss:$0x1], $0xffff;
	v9 =	vbroadcast v9, $0x0  }
0x1a7: {  	v15 =	vld.idx.msk [tilespmem:v0+s21+$0x8810 ss:$0x1], $0xffff;
	[tilespmem:s21+$0x10B80] =	vst v11;
	v11 =	vadd.f32 v17, v7  }
0x1a8: {  	[tilespmem:s22+$0x10A40] =	vst v12;
	v12 =	vadd.f32 v18, v6;
	v17 =	vld.idx.msk [tilespmem:v0+s21+$0x8910 ss:$0x1], $0xffff  }
0x1a9: {  	v18 =	vld.idx.msk [tilespmem:v0+s22+$0x87D0 ss:$0x1], $0xffff;
	[tilespmem:s22+$0x10AC0] =	vst v11  }
0x1aa: {  	[tilespmem:s22+$0x10BC0] =	vst v12;
	v11 =	vadd.f32 v16, v4;
	v16 =	vld.idx.msk [tilespmem:v0+s22+$0x8850 ss:$0x1], $0xffff  }
0x1ab: {  	v14 =	vadd.f32 v14, v3;
	v12 =	vadd.f32 v13, v10;
	v13 =	vld.idx.msk [tilespmem:v0+s22+$0x8950 ss:$0x1], $0xffff  }
0x1ac: {  	s30 =	simm.s32 $0x109;
	v9 =	vld.idx.msk [tilespmem:v9+s12+$0x0], $0xffff;
	[tilespmem:s21+$0x10B10] =	vst v11  }
0x1ad: {  	[tilespmem:s21+$0x10A10] =	vst v14;
	v15 =	vadd.f32 v15, v2;
	v11 =	vmov s30;
	v19 =	vld.idx.msk [tilespmem:v0+s21+$0x88A0 ss:$0x1], $0xffff  }
0x1ae: {  	[tilespmem:s22+$0x10B50] =	vst v12;
	v11 =	vand.u32 $0xFFFFFFFD, v11;
	v12 =	vadd.f32 v17, v1;
	v17 =	vld.idx.msk [tilespmem:v0+s21+$0x87A0 ss:$0x1], $0xffff  }
0x1af: {  	[tilespmem:s21+$0x10A90] =	vst v15;
	v15 =	vadd.f32 v18, v8;
	v14 =	vld.idx.msk [tilespmem:v0+s22+$0x88E0 ss:$0x1], $0xffff;
	v11 =	vbroadcast v11, $0x0  }
0x1b0: {  	v18 =	vld.idx.msk [tilespmem:v0+s21+$0x8820 ss:$0x1], $0xffff;
	[tilespmem:s21+$0x10B90] =	vst v12;
	v12 =	vadd.f32 v16, v7  }
0x1b1: {  	[tilespmem:s22+$0x10A50] =	vst v15;
	v16 =	vld.idx.msk [tilespmem:v0+s21+$0x8920 ss:$0x1], $0xffff;
	v13 =	vadd.f32 v13, v6  }
0x1b2: {  	v15 =	vld.idx.msk [tilespmem:v0+s22+$0x87E0 ss:$0x1], $0xffff;
	[tilespmem:s22+$0x10AD0] =	vst v12  }
0x1b3: {  	v12 =	vadd.f32 v19, v4;
	v19 =	vld.idx.msk [tilespmem:v0+s22+$0x8860 ss:$0x1], $0xffff;
	[tilespmem:s22+$0x10BD0] =	vst v13  }
0x1b4: {  	v17 =	vadd.f32 v17, v3;
	v13 =	vadd.f32 v14, v10;
	v14 =	vld.idx.msk [tilespmem:v0+s22+$0x8960 ss:$0x1], $0xffff  }
0x1b5: {  	v11 =	vld.idx.msk [tilespmem:v11+s12+$0x0], $0xffff;
	[tilespmem:s21+$0x10B20] =	vst v12  }
0x1b6: {  	s31 =	simm.s32 $0x10A;
	v12 =	vadd.f32 v18, v2;
	[tilespmem:s21+$0x10A20] =	vst v17;
	v18 =	vld.idx.msk [tilespmem:v0+s21+$0x88B0 ss:$0x1], $0xffff  }
0x1b7: {  	[tilespmem:s22+$0x10B60] =	vst v13;
	v13 =	vmov s31;
	v16 =	vadd.f32 v16, v1;
	v20 =	vld.idx.msk [tilespmem:v0+s21+$0x87B0 ss:$0x1], $0xffff  }
0x1b8: {  	v17 =	vld.idx.msk [tilespmem:v0+s22+$0x88F0 ss:$0x1], $0xffff;
	v13 =	vand.u32 $0xFFFFFFFE, v13;
	[tilespmem:s21+$0x10AA0] =	vst v12;
	v12 =	vadd.f32 v15, v8  }
0x1b9: {  	v63 =	vbroadcast v13, $0x0;
	v22 =	vld.idx.msk [tilespmem:v0+s21+$0x8830 ss:$0x1], $0xffff;
	[tilespmem:s21+$0x10BA0] =	vst v16;
	v13 =	vadd.f32 v19, v7  }
0x1ba: {  	v16 =	vld.idx.msk [tilespmem:v0+s21+$0x8930 ss:$0x1], $0xffff;
	[tilespmem:s22+$0x10A60] =	vst v12;
	v12 =	vadd.f32 v14, v6  }
0x1bb: {  	v15 =	vld.idx.msk [tilespmem:v0+s22+$0x87F0 ss:$0x1], $0xffff;
	[tilespmem:s22+$0x10AE0] =	vst v13  }
0x1bc: {  	v18 =	vadd.f32 v18, v4;
	v13 =	vld.idx.msk [tilespmem:v0+s22+$0x8870 ss:$0x1], $0xffff;
	[tilespmem:s22+$0x10BE0] =	vst v12  }
0x1bd: {  	s23 =	simm.s32 $0x400;
	v19 =	vadd.f32 v20, v3;
	v14 =	vld.idx.msk [tilespmem:v0+s22+$0x8970 ss:$0x1], $0xffff  }
0x1be: {  	v12 =	vadd.f32 v17, v10;
	v17 =	vld.idx.msk [tilespmem:v0+s23+$0x8880 ss:$0x1], $0xffff;
	[tilespmem:s21+$0x10B30] =	vst v18  }
0x1bf: {  	v18 =	vadd.f32 v22, v2;
	[tilespmem:s21+$0x10A30] =	vst v19;
	v10 =	vld.idx.msk [tilespmem:v63+s12+$0x0], $0xffff  }
0x1c0: {  	s24 =	simm.s32 $0x8;
	s25 =	simm.s32 $0x1000;
	[tilespmem:s22+$0x10B70] =	vst v12;
	v12 =	vld.idx.msk [tilespmem:v0+s21+$0x88C0 ss:$0x1], $0xffff;
	v16 =	vadd.f32 v16, v1  }
.LBB2_7:
0x1c1: {  	s26 =	sadd.s32 $0x107, s24;
	v19 =	vld.idx.msk [tilespmem:v0+s23+$0x8780 ss:$0x1], $0xffff;
	[tilespmem:s21+$0x10AB0] =	vst v18;
	v15 =	vadd.f32 v15, v8;
	v8 =	vmov v3;
	v3 =	vmov v9  }
0x1c2: {  	v13 =	vadd.f32 v13, v7;
	v7 =	vmovc v2;
	v2 =	vmov v11;
	v9 =	vmov s26;
	v18 =	vld.idx.msk [tilespmem:v0+s23+$0x8800 ss:$0x1], $0xffff;
	[tilespmem:s21+$0x10BB0] =	vst v16  }
0x1c3: {  	v14 =	vadd.f32 v14, v6;
	v6 =	vmov v1;
	v1 =	vmov v5;
	v11 =	vld.idx.msk [tilespmem:v0+s23+$0x8900 ss:$0x1], $0xffff;
	[tilespmem:s22+$0x10A70] =	vst v15  }
0x1c4: {  	v15 =	vld.idx.msk [tilespmem:v0+s21+$0x87C0 ss:$0x1], $0xffff;
	[tilespmem:s22+$0x10AF0] =	vst v13  }
0x1c5: {  	v13 =	vadd.f32 v17, v10;
	v16 =	vld.idx.msk [tilespmem:v0+s21+$0x8840 ss:$0x1], $0xffff;
	[tilespmem:s22+$0x10BF0] =	vst v14;
	s22 =	smov.u32 s21;
	s21 =	smov.u32 s23  }
0x1c6: {  	v12 =	vadd.f32 v12, v4;
	v14 =	vld.idx.msk [tilespmem:v0+s22+$0x8940 ss:$0x1], $0xffff  }
0x1c7: {  	s23 =	sadd.s32 $0x104, s24;
	v5 =	vld.idx.msk [tilespmem:v9+s12+$0x0], $0xffff;
	v9 =	vadd.f32 v19, v3;
	[tilespmem:s21+$0x10B00] =	vst v13  }
0x1c8: {  	v13 =	vmov s23;
	v17 =	vadd.f32 v18, v2;
	v18 =	vld.idx.msk [tilespmem:v0+s21+$0x8890 ss:$0x1], $0xffff;
	[tilespmem:s22+$0x10B40] =	vst v12  }
0x1c9: {  	v12 =	vand.u32 $0xFFFFFFFC, v13;
	[tilespmem:s21+$0x10A00] =	vst v9;
	v9 =	vadd.f32 v11, v1;
	v11 =	vld.idx.msk [tilespmem:v0+s22+$0x88D0 ss:$0x1], $0xffff  }
0x1ca: {  	v12 =	vbroadcast v12, $0x0;
	v15 =	vadd.f32 v15, v8;
	v13 =	vld.idx.msk [tilespmem:v0+s21+$0x8790 ss:$0x1], $0xffff;
	[tilespmem:s21+$0x10A80] =	vst v17  }
0x1cb: {  	v17 =	vld.idx.msk [tilespmem:v0+s21+$0x8810 ss:$0x1], $0xffff;
	[tilespmem:s21+$0x10B80] =	vst v9;
	v9 =	vadd.f32 v16, v7  }
0x1cc: {  	v14 =	vadd.f32 v14, v6;
	v16 =	vld.idx.msk [tilespmem:v0+s21+$0x8910 ss:$0x1], $0xffff;
	[tilespmem:s22+$0x10A40] =	vst v15  }
0x1cd: {  	v15 =	vld.idx.msk [tilespmem:v0+s22+$0x87D0 ss:$0x1], $0xffff;
	[tilespmem:s22+$0x10AC0] =	vst v9  }
0x1ce: {  	v18 =	vadd.f32 v18, v10;
	v19 =	vld.idx.msk [tilespmem:v0+s22+$0x8850 ss:$0x1], $0xffff;
	[tilespmem:s22+$0x10BC0] =	vst v14  }
0x1cf: {  	v11 =	vadd.f32 v11, v4;
	v14 =	vld.idx.msk [tilespmem:v0+s22+$0x8950 ss:$0x1], $0xffff  }
0x1d0: {  	s23 =	sadd.s32 $0x105, s24;
	v9 =	vld.idx.msk [tilespmem:v12+s12+$0x0], $0xffff;
	v12 =	vadd.f32 v13, v3;
	[tilespmem:s21+$0x10B10] =	vst v18  }
0x1d1: {  	v13 =	vmov s23;
	v17 =	vadd.f32 v17, v2;
	v18 =	vld.idx.msk [tilespmem:v0+s21+$0x88A0 ss:$0x1], $0xffff;
	[tilespmem:s22+$0x10B50] =	vst v11  }
0x1d2: {  	v11 =	vand.u32 $0xFFFFFFFD, v13;
	[tilespmem:s21+$0x10A10] =	vst v12;
	v12 =	vadd.f32 v16, v1;
	v13 =	vld.idx.msk [tilespmem:v0+s22+$0x88E0 ss:$0x1], $0xffff  }
0x1d3: {  	v11 =	vbroadcast v11, $0x0;
	v15 =	vadd.f32 v15, v8;
	v16 =	vld.idx.msk [tilespmem:v0+s21+$0x87A0 ss:$0x1], $0xffff;
	[tilespmem:s21+$0x10A90] =	vst v17  }
0x1d4: {  	v17 =	vld.idx.msk [tilespmem:v0+s21+$0x8820 ss:$0x1], $0xffff;
	[tilespmem:s21+$0x10B90] =	vst v12;
	v12 =	vadd.f32 v19, v7  }
0x1d5: {  	v14 =	vadd.f32 v14, v6;
	v19 =	vld.idx.msk [tilespmem:v0+s21+$0x8920 ss:$0x1], $0xffff;
	[tilespmem:s22+$0x10A50] =	vst v15  }
0x1d6: {  	v15 =	vld.idx.msk [tilespmem:v0+s22+$0x87E0 ss:$0x1], $0xffff;
	[tilespmem:s22+$0x10AD0] =	vst v12  }
0x1d7: {  	v12 =	vadd.f32 v18, v10;
	v18 =	vld.idx.msk [tilespmem:v0+s22+$0x8860 ss:$0x1], $0xffff;
	[tilespmem:s22+$0x10BD0] =	vst v14  }
0x1d8: {  	v13 =	vadd.f32 v13, v4;
	v14 =	vld.idx.msk [tilespmem:v0+s22+$0x8960 ss:$0x1], $0xffff  }
0x1d9: {  	v16 =	vadd.f32 v16, v3;
	v11 =	vld.idx.msk [tilespmem:v11+s12+$0x0], $0xffff;
	[tilespmem:s21+$0x10B20] =	vst v12  }
0x1da: {  	s23 =	sadd.s32 $0x106, s24;
	v12 =	vadd.f32 v17, v2;
	v17 =	vld.idx.msk [tilespmem:v0+s21+$0x88B0 ss:$0x1], $0xffff;
	[tilespmem:s22+$0x10B60] =	vst v13  }
0x1db: {  	s24 =	sadd.s32 $0x4, s24;
	v13 =	vmov s23;
	[tilespmem:s21+$0x10A20] =	vst v16;
	v16 =	vadd.f32 v19, v1;
	v19 =	vld.idx.msk [tilespmem:v0+s22+$0x88F0 ss:$0x1], $0xffff  }
0x1dc: {  	p0 =	slt.u32 s24, $0x7C;
	v13 =	vand.u32 $0xFFFFFFFE, v13;
	v20 =	vld.idx.msk [tilespmem:v0+s21+$0x87B0 ss:$0x1], $0xffff;
	[tilespmem:s21+$0x10AA0] =	vst v12;
	v12 =	vadd.f32 v15, v8  }
0x1dd: {  	v21 =	vbroadcast v13, $0x0;
	v13 =	vadd.f32 v18, v7;
	v22 =	vld.idx.msk [tilespmem:v0+s21+$0x8830 ss:$0x1], $0xffff;
	[tilespmem:s21+$0x10BA0] =	vst v16  }
0x1de: {  	v16 =	vld.idx.msk [tilespmem:v0+s21+$0x8930 ss:$0x1], $0xffff;
	[tilespmem:s22+$0x10A60] =	vst v12;
	v12 =	vadd.f32 v14, v6  }
0x1df: {  	v15 =	vld.idx.msk [tilespmem:v0+s22+$0x87F0 ss:$0x1], $0xffff;
	[tilespmem:s22+$0x10AE0] =	vst v13  }
.Ltmp2:
0x1e0: {  	s25 =	sadd.s32 $0x800, s25;
	v18 =	vadd.f32 v17, v10;
	v13 =	vld.idx.msk [tilespmem:v0+s22+$0x8870 ss:$0x1], $0xffff;
	[tilespmem:s22+$0x10BE0] =	vst v12;
	(pc) =	sbr.rel @p0 .LBB2_7-.Ltmp2, $4  }
0x1e1: {  	s23 =	sshra.s32 s25, $0x2;
	v12 =	vadd.f32 v19, v4;
	v4 =	vmov v10;
	v14 =	vld.idx.msk [tilespmem:v0+s22+$0x8970 ss:$0x1], $0xffff  }
0x1e2: {  	v19 =	vadd.f32 v20, v3;
	v17 =	vld.idx.msk [tilespmem:v0+s23+$0x8880 ss:$0x1], $0xffff;
	[tilespmem:s21+$0x10B30] =	vst v18  }
0x1e3: {  	v18 =	vadd.f32 v22, v2;
	v10 =	vld.idx.msk [tilespmem:v21+s12+$0x0], $0xffff;
	[tilespmem:s22+$0x10B70] =	vst v12  }
0x1e4: {  	v16 =	vadd.f32 v16, v1;
	[tilespmem:s21+$0x10A30] =	vst v19;
	v12 =	vld.idx.msk [tilespmem:v0+s21+$0x88C0 ss:$0x1], $0xffff  }
0x1e5: {  	_ =	sdelay $0x3  }
0x1e6: {  	v19 =	vld.idx.msk [tilespmem:v0+s23+$0x8780 ss:$0x1], $0xffff  }
0x1e7: {  	v20 =	vld.idx.msk [tilespmem:v0+s23+$0x8800 ss:$0x1], $0xffff  }
0x1e8: {  	v21 =	vld.idx.msk [tilespmem:v0+s23+$0x8900 ss:$0x1], $0xffff;
	_ =	sdelay $0x1  }
0x1e9: {  	v17 =	vadd.f32 v17, v10  }
0x1ea: {  	v19 =	vadd.f32 v19, v9  }
0x1eb: {  	[tilespmem:s23+$0x10B00] =	vst v17;
	v17 =	vadd.f32 v20, v11  }
0x1ec: {  	v20 =	vld.idx.msk [tilespmem:v0+s23+$0x8890 ss:$0x1], $0xffff;
	[tilespmem:s23+$0x10A00] =	vst v19;
	v19 =	vadd.f32 v21, v5  }
0x1ed: {  	[tilespmem:s23+$0x10A80] =	vst v17;
	v62 =	vld.idx.msk [tilespmem:v0+s23+$0x8790 ss:$0x1], $0xffff  }
0x1ee: {  	v17 =	vld.idx.msk [tilespmem:v0+s23+$0x8810 ss:$0x1], $0xffff;
	[tilespmem:s23+$0x10B80] =	vst v19  }
0x1ef: {  	v19 =	vld.idx.msk [tilespmem:v0+s23+$0x8910 ss:$0x1], $0xffff;
	_ =	sdelay $0x1  }
0x1f0: {  	v20 =	vadd.f32 v20, v10  }
0x1f1: {  	v21 =	vadd.f32 v62, v9  }
0x1f2: {  	[tilespmem:s23+$0x10B10] =	vst v20;
	v17 =	vadd.f32 v17, v11  }
0x1f3: {  	v20 =	vld.idx.msk [tilespmem:v0+s23+$0x88A0 ss:$0x1], $0xffff;
	[tilespmem:s23+$0x10A10] =	vst v21;
	v19 =	vadd.f32 v19, v5  }
0x1f4: {  	[tilespmem:s23+$0x10A90] =	vst v17;
	v21 =	vld.idx.msk [tilespmem:v0+s23+$0x87A0 ss:$0x1], $0xffff  }
0x1f5: {  	v17 =	vld.idx.msk [tilespmem:v0+s23+$0x8820 ss:$0x1], $0xffff;
	[tilespmem:s23+$0x10B90] =	vst v19  }
0x1f6: {  	v19 =	vld.idx.msk [tilespmem:v0+s23+$0x8920 ss:$0x1], $0xffff;
	_ =	sdelay $0x1  }
0x1f7: {  	v20 =	vadd.f32 v20, v10  }
0x1f8: {  	[tilespmem:s21+$0x10AB0] =	vst v18;
	v18 =	vadd.f32 v21, v9  }
0x1f9: {  	[tilespmem:s23+$0x10B20] =	vst v20;
	v17 =	vadd.f32 v17, v11  }
0x1fa: {  	v20 =	vld.idx.msk [tilespmem:v0+s23+$0x88B0 ss:$0x1], $0xffff;
	[tilespmem:s23+$0x10A20] =	vst v18;
	v18 =	vadd.f32 v19, v5  }
0x1fb: {  	[tilespmem:s23+$0x10AA0] =	vst v17;
	v19 =	vld.idx.msk [tilespmem:v0+s23+$0x87B0 ss:$0x1], $0xffff  }
0x1fc: {  	v8 =	vadd.f32 v15, v8;
	v15 =	vld.idx.msk [tilespmem:v0+s23+$0x8830 ss:$0x1], $0xffff;
	[tilespmem:s23+$0x10BA0] =	vst v18  }
0x1fd: {  	v7 =	vadd.f32 v13, v7;
	[tilespmem:s21+$0x10BB0] =	vst v16;
	v13 =	vld.idx.msk [tilespmem:v0+s23+$0x8930 ss:$0x1], $0xffff  }
0x1fe: {  	v6 =	vadd.f32 v14, v6;
	[tilespmem:s22+$0x10A70] =	vst v8  }
0x1ff: {  	v8 =	vld.idx.msk [tilespmem:v0+s21+$0x87C0 ss:$0x1], $0xffff;
	[tilespmem:s22+$0x10AF0] =	vst v7;
	v7 =	vadd.f32 v20, v10  }
0x200: {  	v14 =	vld.idx.msk [tilespmem:v0+s21+$0x8840 ss:$0x1], $0xffff;
	[tilespmem:s22+$0x10BF0] =	vst v6;
	v6 =	vadd.f32 v19, v9  }
0x201: {  	v16 =	vld.idx.msk [tilespmem:v0+s21+$0x8940 ss:$0x1], $0xffff;
	[tilespmem:s23+$0x10B30] =	vst v7;
	v7 =	vadd.f32 v15, v11  }
0x202: {  	[tilespmem:s23+$0x10A30] =	vst v6;
	v6 =	vld.idx.msk [tilespmem:v0+s23+$0x88C0 ss:$0x1], $0xffff;
	v13 =	vadd.f32 v13, v5  }
0x203: {  	v12 =	vadd.f32 v12, v4;
	[tilespmem:s23+$0x10AB0] =	vst v7;
	v7 =	vld.idx.msk [tilespmem:v0+s23+$0x87C0 ss:$0x1], $0xffff  }
0x204: {  	v8 =	vadd.f32 v8, v3;
	[tilespmem:s23+$0x10BB0] =	vst v13;
	v13 =	vld.idx.msk [tilespmem:v0+s23+$0x8840 ss:$0x1], $0xffff  }
0x205: {  	[tilespmem:s21+$0x10B40] =	vst v12;
	v12 =	vadd.f32 v14, v2;
	v14 =	vld.idx.msk [tilespmem:v0+s23+$0x8940 ss:$0x1], $0xffff  }
0x206: {  	[tilespmem:s21+$0x10A40] =	vst v8;
	v8 =	vadd.f32 v16, v1;
	v15 =	vld.idx.msk [tilespmem:v0+s21+$0x88D0 ss:$0x1], $0xffff  }
0x207: {  	[tilespmem:s21+$0x10AC0] =	vst v12;
	v16 =	vld.idx.msk [tilespmem:v0+s21+$0x87D0 ss:$0x1], $0xffff;
	v6 =	vadd.f32 v6, v10  }
0x208: {  	v12 =	vld.idx.msk [tilespmem:v0+s21+$0x8850 ss:$0x1], $0xffff;
	[tilespmem:s21+$0x10BC0] =	vst v8;
	v7 =	vadd.f32 v7, v9  }
0x209: {  	v8 =	vld.idx.msk [tilespmem:v0+s21+$0x8950 ss:$0x1], $0xffff;
	[tilespmem:s23+$0x10B40] =	vst v6;
	v6 =	vadd.f32 v13, v11  }
0x20a: {  	v13 =	vld.idx.msk [tilespmem:v0+s23+$0x88D0 ss:$0x1], $0xffff;
	[tilespmem:s23+$0x10A40] =	vst v7;
	v7 =	vadd.f32 v14, v5  }
0x20b: {  	v14 =	vadd.f32 v15, v4;
	v15 =	vld.idx.msk [tilespmem:v0+s23+$0x87D0 ss:$0x1], $0xffff;
	[tilespmem:s23+$0x10AC0] =	vst v6  }
0x20c: {  	v6 =	vadd.f32 v16, v3;
	v16 =	vld.idx.msk [tilespmem:v0+s23+$0x8850 ss:$0x1], $0xffff;
	[tilespmem:s23+$0x10BC0] =	vst v7  }
0x20d: {  	[tilespmem:s21+$0x10B50] =	vst v14;
	v7 =	vadd.f32 v12, v2;
	v12 =	vld.idx.msk [tilespmem:v0+s23+$0x8950 ss:$0x1], $0xffff  }
0x20e: {  	v14 =	vld.idx.msk [tilespmem:v0+s21+$0x88E0 ss:$0x1], $0xffff;
	[tilespmem:s21+$0x10A50] =	vst v6;
	v6 =	vadd.f32 v8, v1  }
0x20f: {  	v8 =	vld.idx.msk [tilespmem:v0+s21+$0x87E0 ss:$0x1], $0xffff;
	[tilespmem:s21+$0x10AD0] =	vst v7;
	v7 =	vadd.f32 v13, v10  }
0x210: {  	v13 =	vld.idx.msk [tilespmem:v0+s21+$0x8860 ss:$0x1], $0xffff;
	[tilespmem:s21+$0x10BD0] =	vst v6;
	v6 =	vadd.f32 v15, v9  }
0x211: {  	v15 =	vld.idx.msk [tilespmem:v0+s21+$0x8960 ss:$0x1], $0xffff;
	[tilespmem:s23+$0x10B50] =	vst v7;
	v7 =	vadd.f32 v16, v11  }
0x212: {  	v16 =	vld.idx.msk [tilespmem:v0+s23+$0x88E0 ss:$0x1], $0xffff;
	[tilespmem:s23+$0x10A50] =	vst v6;
	v6 =	vadd.f32 v12, v5  }
0x213: {  	v12 =	vadd.f32 v14, v4;
	v14 =	vld.idx.msk [tilespmem:v0+s23+$0x87E0 ss:$0x1], $0xffff;
	[tilespmem:s23+$0x10AD0] =	vst v7  }
0x214: {  	v7 =	vadd.f32 v8, v3;
	v8 =	vld.idx.msk [tilespmem:v0+s23+$0x8860 ss:$0x1], $0xffff;
	[tilespmem:s23+$0x10BD0] =	vst v6  }
0x215: {  	[tilespmem:s21+$0x10B60] =	vst v12;
	v6 =	vadd.f32 v13, v2;
	v12 =	vld.idx.msk [tilespmem:v0+s23+$0x8960 ss:$0x1], $0xffff  }
0x216: {  	v13 =	vld.idx.msk [tilespmem:v0+s21+$0x88F0 ss:$0x1], $0xffff;
	[tilespmem:s21+$0x10A60] =	vst v7;
	v7 =	vadd.f32 v15, v1  }
0x217: {  	v15 =	vld.idx.msk [tilespmem:v0+s21+$0x87F0 ss:$0x1], $0xffff;
	[tilespmem:s21+$0x10AE0] =	vst v6;
	v6 =	vadd.f32 v16, v10  }
0x218: {  	v16 =	vld.idx.msk [tilespmem:v0+s21+$0x8870 ss:$0x1], $0xffff;
	[tilespmem:s21+$0x10BE0] =	vst v7;
	v7 =	vadd.f32 v14, v9  }
0x219: {  	v14 =	vld.idx.msk [tilespmem:v0+s21+$0x8970 ss:$0x1], $0xffff;
	[tilespmem:s23+$0x10B60] =	vst v6;
	v6 =	vadd.f32 v8, v11  }
0x21a: {  	v8 =	vld.idx.msk [tilespmem:v0+s23+$0x88F0 ss:$0x1], $0xffff;
	[tilespmem:s23+$0x10A60] =	vst v7;
	v7 =	vadd.f32 v12, v5  }
0x21b: {  	v4 =	vadd.f32 v13, v4;
	v12 =	vld.idx.msk [tilespmem:v0+s23+$0x87F0 ss:$0x1], $0xffff;
	[tilespmem:s23+$0x10AE0] =	vst v6  }
0x21c: {  	v3 =	vadd.f32 v15, v3;
	v6 =	vld.idx.msk [tilespmem:v0+s23+$0x8870 ss:$0x1], $0xffff;
	[tilespmem:s23+$0x10BE0] =	vst v7  }
0x21d: {  	[tilespmem:s21+$0x10B70] =	vst v4;
	v2 =	vadd.f32 v16, v2;
	v4 =	vld.idx.msk [tilespmem:v0+s23+$0x8970 ss:$0x1], $0xffff  }
0x21e: {  	[tilespmem:s21+$0x10A70] =	vst v3;
	v1 =	vadd.f32 v14, v1  }
0x21f: {  	[tilespmem:s21+$0x10AF0] =	vst v2;
	v2 =	vadd.f32 v8, v10  }
0x220: {  	[tilespmem:s21+$0x10BF0] =	vst v1;
	v1 =	vadd.f32 v12, v9  }
0x221: {  	[tilespmem:s23+$0x10B70] =	vst v2;
	v2 =	vadd.f32 v6, v11  }
0x222: {  	s24 =	simm.s32 $0x180;
	[tilespmem:s23+$0x10A70] =	vst v1;
	v1 =	vadd.f32 v4, v5  }
0x223: {  	s26 =	simm.s32 $0x182;
	s28 =	simm.s32 $0x183;
	v3 =	vmov s24;
	[tilespmem:s23+$0x10AF0] =	vst v2  }
0x224: {  	s29 =	sadd.s32 s20, s8;
	s30 =	simm.s32 $0x0;
	s31 =	simm.s32 $0x181;
	v3 =	vand.u32 $0xFFFFFFFC, v3;
	[tilespmem:s23+$0x10BF0] =	vst v1;
	v1 =	vmov s28  }
0x225: {  	v3 =	vbroadcast v3, $0x0;
	v4 =	vmov s31;
	[hbm4b:s29+s30] =	stream.linear.scatter [tilespmem:s13], [sflag:$0x1], $0x4000, $0x38;
	[tilespmem:$0x18A00] =	vst v63  }
0x226: {  	v2 =	vmov s26;
	v4 =	vand.u32 $0xFFFFFFFD, v4;
	_ =	swait.ge [sflag:s15], $0x4000  }
0x227: {  	v2 =	vand.u32 $0xFFFFFFFE, v2;
	v4 =	vbroadcast v4, $0x0;
	[sflag:s15] =	ssyncset.done $0x0  }
0x228: {  	v2 =	vbroadcast v2, $0x0;
	[sflag:s15] =	ssyncadd.s32 $0xFFFFC000  }
0x229: {  	s22 =	simm.s32 $0x0;
	v6 =	vld.idx.msk [tilespmem:v1+s12+$0x0], $0xffff  }
0x22a: {  	v1 =	vld.idx.msk [tilespmem:v0+s22+$0xC880 ss:$0x1], $0xffff  }
0x22b: {  	v8 =	vld.idx.msk [tilespmem:v3+s12+$0x0], $0xffff  }
0x22c: {  	v3 =	vld.idx.msk [tilespmem:v0+s22+$0xC800 ss:$0x1], $0xffff  }
0x22d: {  	v7 =	vld.idx.msk [tilespmem:v4+s12+$0x0], $0xffff  }
0x22e: {  	v10 =	vld.idx.msk [tilespmem:v2+s12+$0x0], $0xffff;
	_ =	sdelay $0x2  }
0x22f: {  	v2 =	vld.idx.msk [tilespmem:v0+s22+$0xC780 ss:$0x1], $0xffff  }
0x230: {  	v3 =	vadd.f32 v3, v7  }
0x231: {  	v4 =	vld.idx.msk [tilespmem:v0+s22+$0xC900 ss:$0x1], $0xffff;
	v1 =	vadd.f32 v1, v10  }
0x232: {  	[tilespmem:s22+$0x14A80] =	vst v3  }
0x233: {  	[tilespmem:s22+$0x14B00] =	vst v1;
	v3 =	vld.idx.msk [tilespmem:v0+s22+$0xC810 ss:$0x1], $0xffff  }
0x234: {  	v1 =	vadd.f32 v2, v8;
	v2 =	vld.idx.msk [tilespmem:v0+s22+$0xC890 ss:$0x1], $0xffff;
	_ =	sdelay $0x1  }
0x235: {  	[tilespmem:s22+$0x14A00] =	vst v1;
	v1 =	vadd.f32 v4, v6  }
0x236: {  	v4 =	vld.idx.msk [tilespmem:v0+s22+$0xC790 ss:$0x1], $0xffff  }
0x237: {  	[tilespmem:s22+$0x14B80] =	vst v1;
	v3 =	vadd.f32 v3, v7  }
0x238: {  	v1 =	vld.idx.msk [tilespmem:v0+s22+$0xC910 ss:$0x1], $0xffff;
	v2 =	vadd.f32 v2, v10  }
0x239: {  	[tilespmem:s22+$0x14A90] =	vst v3  }
0x23a: {  	[tilespmem:s22+$0x14B10] =	vst v2;
	v12 =	vld.idx.msk [tilespmem:v0+s22+$0xC820 ss:$0x1], $0xffff  }
0x23b: {  	s24 =	simm.s32 $0x184;
	s23 =	simm.s32 $0x187;
	v2 =	vadd.f32 v4, v8;
	v4 =	vld.idx.msk [tilespmem:v0+s22+$0xC8A0 ss:$0x1], $0xffff  }
0x23c: {  	s25 =	simm.s32 $0x185;
	v9 =	vmov s24;
	v5 =	vmov s23  }
0x23d: {  	v9 =	vand.u32 $0xFFFFFFFC, v9;
	v11 =	vmov s25;
	[tilespmem:s22+$0x14A10] =	vst v2;
	v1 =	vadd.f32 v1, v6  }
0x23e: {  	s21 =	simm.s32 $0x200;
	v2 =	vbroadcast v9, $0x0;
	v9 =	vand.u32 $0xFFFFFFFD, v11;
	v11 =	vld.idx.msk [tilespmem:v0+s22+$0xC7A0 ss:$0x1], $0xffff  }
0x23f: {  	v14 =	vld.idx.msk [tilespmem:v0+s21+$0xC780 ss:$0x1], $0xffff;
	v9 =	vbroadcast v9, $0x0;
	[tilespmem:s22+$0x14B90] =	vst v1;
	v12 =	vadd.f32 v12, v7  }
0x240: {  	v13 =	vld.idx.msk [tilespmem:v0+s22+$0xC920 ss:$0x1], $0xffff;
	v3 =	vadd.f32 v4, v10  }
0x241: {  	s26 =	simm.s32 $0x186;
	v1 =	vld.idx.msk [tilespmem:v5+s12+$0x0], $0xffff;
	[tilespmem:s22+$0x14AA0] =	vst v12  }
0x242: {  	[tilespmem:s22+$0x14B20] =	vst v3;
	v3 =	vmov s26;
	v12 =	vld.idx.msk [tilespmem:v0+s22+$0xC830 ss:$0x1], $0xffff  }
0x243: {  	v4 =	vadd.f32 v11, v8;
	v5 =	vld.idx.msk [tilespmem:v0+s22+$0xC8B0 ss:$0x1], $0xffff;
	v11 =	vand.u32 $0xFFFFFFFE, v3  }
0x244: {  	v3 =	vld.idx.msk [tilespmem:v2+s12+$0x0], $0xffff;
	v11 =	vbroadcast v11, $0x0  }
0x245: {  	v2 =	vld.idx.msk [tilespmem:v9+s12+$0x0], $0xffff;
	[tilespmem:s22+$0x14A20] =	vst v4;
	v4 =	vadd.f32 v13, v6  }
0x246: {  	v9 =	vld.idx.msk [tilespmem:v0+s22+$0xC7B0 ss:$0x1], $0xffff  }
0x247: {  	v16 =	vld.idx.msk [tilespmem:v0+s21+$0xC800 ss:$0x1], $0xffff;
	[tilespmem:s22+$0x14BA0] =	vst v4  }
0x248: {  	v13 =	vld.idx.msk [tilespmem:v0+s22+$0xC930 ss:$0x1], $0xffff;
	v4 =	vadd.f32 v5, v10  }
0x249: {  	v12 =	vadd.f32 v12, v7;
	v5 =	vld.idx.msk [tilespmem:v0+s21+$0xC880 ss:$0x1], $0xffff  }
0x24a: {  	[tilespmem:s22+$0x14B30] =	vst v4;
	v4 =	vld.idx.msk [tilespmem:v11+s12+$0x0], $0xffff  }
0x24b: {  	s28 =	simm.s32 $0x18B;
	[tilespmem:s22+$0x14AB0] =	vst v12;
	v9 =	vadd.f32 v9, v8;
	v11 =	vld.idx.msk [tilespmem:v0+s22+$0xC8C0 ss:$0x1], $0xffff  }
0x24c: {  	v15 =	vmov s28;
	v14 =	vadd.f32 v14, v3;
	v17 =	vld.idx.msk [tilespmem:v0+s22+$0xC840 ss:$0x1], $0xffff  }
0x24d: {  	[tilespmem:s22+$0x14A30] =	vst v9;
	v9 =	vadd.f32 v13, v6;
	v13 =	vld.idx.msk [tilespmem:v0+s21+$0xC900 ss:$0x1], $0xffff  }
0x24e: {  	[tilespmem:s21+$0x14A00] =	vst v14;
	v12 =	vld.idx.msk [tilespmem:v0+s22+$0xC7C0 ss:$0x1], $0xffff  }
0x24f: {  	v14 =	vld.idx.msk [tilespmem:v0+s21+$0xC790 ss:$0x1], $0xffff;
	[tilespmem:s22+$0x14BB0] =	vst v9;
	v9 =	vadd.f32 v5, v4  }
0x250: {  	s29 =	simm.s32 $0x188;
	v18 =	vld.idx.msk [tilespmem:v0+s22+$0xC940 ss:$0x1], $0xffff;
	v11 =	vadd.f32 v11, v10  }
0x251: {  	v5 =	vld.idx.msk [tilespmem:v15+s12+$0x0], $0xffff;
	v15 =	vadd.f32 v16, v2;
	[tilespmem:s21+$0x14B00] =	vst v9;
	v9 =	vmov s29  }
0x252: {  	v16 =	vld.idx.msk [tilespmem:v0+s21+$0xC890 ss:$0x1], $0xffff;
	[tilespmem:s22+$0x14B40] =	vst v11;
	v9 =	vand.u32 $0xFFFFFFFC, v9;
	v11 =	vadd.f32 v13, v1  }
0x253: {  	[tilespmem:s21+$0x14A80] =	vst v15;
	v12 =	vadd.f32 v12, v8;
	v13 =	vld.idx.msk [tilespmem:v0+s22+$0xC8D0 ss:$0x1], $0xffff;
	v9 =	vbroadcast v9, $0x0  }
0x254: {  	v15 =	vld.idx.msk [tilespmem:v0+s21+$0xC810 ss:$0x1], $0xffff;
	[tilespmem:s21+$0x14B80] =	vst v11;
	v11 =	vadd.f32 v17, v7  }
0x255: {  	[tilespmem:s22+$0x14A40] =	vst v12;
	v12 =	vadd.f32 v18, v6;
	v17 =	vld.idx.msk [tilespmem:v0+s21+$0xC910 ss:$0x1], $0xffff  }
0x256: {  	v18 =	vld.idx.msk [tilespmem:v0+s22+$0xC7D0 ss:$0x1], $0xffff;
	[tilespmem:s22+$0x14AC0] =	vst v11  }
0x257: {  	[tilespmem:s22+$0x14BC0] =	vst v12;
	v11 =	vadd.f32 v16, v4;
	v16 =	vld.idx.msk [tilespmem:v0+s22+$0xC850 ss:$0x1], $0xffff  }
0x258: {  	v14 =	vadd.f32 v14, v3;
	v12 =	vadd.f32 v13, v10;
	v13 =	vld.idx.msk [tilespmem:v0+s22+$0xC950 ss:$0x1], $0xffff  }
0x259: {  	s30 =	simm.s32 $0x189;
	v9 =	vld.idx.msk [tilespmem:v9+s12+$0x0], $0xffff;
	[tilespmem:s21+$0x14B10] =	vst v11  }
0x25a: {  	[tilespmem:s21+$0x14A10] =	vst v14;
	v15 =	vadd.f32 v15, v2;
	v11 =	vmov s30;
	v19 =	vld.idx.msk [tilespmem:v0+s21+$0xC8A0 ss:$0x1], $0xffff  }
0x25b: {  	[tilespmem:s22+$0x14B50] =	vst v12;
	v11 =	vand.u32 $0xFFFFFFFD, v11;
	v12 =	vadd.f32 v17, v1;
	v17 =	vld.idx.msk [tilespmem:v0+s21+$0xC7A0 ss:$0x1], $0xffff  }
0x25c: {  	[tilespmem:s21+$0x14A90] =	vst v15;
	v15 =	vadd.f32 v18, v8;
	v14 =	vld.idx.msk [tilespmem:v0+s22+$0xC8E0 ss:$0x1], $0xffff;
	v11 =	vbroadcast v11, $0x0  }
0x25d: {  	v18 =	vld.idx.msk [tilespmem:v0+s21+$0xC820 ss:$0x1], $0xffff;
	[tilespmem:s21+$0x14B90] =	vst v12;
	v12 =	vadd.f32 v16, v7  }
0x25e: {  	[tilespmem:s22+$0x14A50] =	vst v15;
	v16 =	vld.idx.msk [tilespmem:v0+s21+$0xC920 ss:$0x1], $0xffff;
	v13 =	vadd.f32 v13, v6  }
0x25f: {  	v15 =	vld.idx.msk [tilespmem:v0+s22+$0xC7E0 ss:$0x1], $0xffff;
	[tilespmem:s22+$0x14AD0] =	vst v12  }
0x260: {  	v12 =	vadd.f32 v19, v4;
	v19 =	vld.idx.msk [tilespmem:v0+s22+$0xC860 ss:$0x1], $0xffff;
	[tilespmem:s22+$0x14BD0] =	vst v13  }
0x261: {  	v17 =	vadd.f32 v17, v3;
	v13 =	vadd.f32 v14, v10;
	v14 =	vld.idx.msk [tilespmem:v0+s22+$0xC960 ss:$0x1], $0xffff  }
0x262: {  	v11 =	vld.idx.msk [tilespmem:v11+s12+$0x0], $0xffff;
	[tilespmem:s21+$0x14B20] =	vst v12  }
0x263: {  	s31 =	simm.s32 $0x18A;
	v12 =	vadd.f32 v18, v2;
	[tilespmem:s21+$0x14A20] =	vst v17;
	v18 =	vld.idx.msk [tilespmem:v0+s21+$0xC8B0 ss:$0x1], $0xffff  }
0x264: {  	[tilespmem:s22+$0x14B60] =	vst v13;
	v13 =	vmov s31;
	v16 =	vadd.f32 v16, v1;
	v20 =	vld.idx.msk [tilespmem:v0+s21+$0xC7B0 ss:$0x1], $0xffff  }
0x265: {  	v17 =	vld.idx.msk [tilespmem:v0+s22+$0xC8F0 ss:$0x1], $0xffff;
	v13 =	vand.u32 $0xFFFFFFFE, v13;
	[tilespmem:s21+$0x14AA0] =	vst v12;
	v12 =	vadd.f32 v15, v8  }
0x266: {  	v63 =	vbroadcast v13, $0x0;
	v22 =	vld.idx.msk [tilespmem:v0+s21+$0xC830 ss:$0x1], $0xffff;
	[tilespmem:s21+$0x14BA0] =	vst v16;
	v13 =	vadd.f32 v19, v7  }
0x267: {  	v16 =	vld.idx.msk [tilespmem:v0+s21+$0xC930 ss:$0x1], $0xffff;
	[tilespmem:s22+$0x14A60] =	vst v12;
	v12 =	vadd.f32 v14, v6  }
0x268: {  	v15 =	vld.idx.msk [tilespmem:v0+s22+$0xC7F0 ss:$0x1], $0xffff;
	[tilespmem:s22+$0x14AE0] =	vst v13  }
0x269: {  	v18 =	vadd.f32 v18, v4;
	v13 =	vld.idx.msk [tilespmem:v0+s22+$0xC870 ss:$0x1], $0xffff;
	[tilespmem:s22+$0x14BE0] =	vst v12  }
0x26a: {  	s23 =	simm.s32 $0x400;
	v19 =	vadd.f32 v20, v3;
	v14 =	vld.idx.msk [tilespmem:v0+s22+$0xC970 ss:$0x1], $0xffff  }
0x26b: {  	v12 =	vadd.f32 v17, v10;
	v17 =	vld.idx.msk [tilespmem:v0+s23+$0xC880 ss:$0x1], $0xffff;
	[tilespmem:s21+$0x14B30] =	vst v18  }
0x26c: {  	v18 =	vadd.f32 v22, v2;
	[tilespmem:s21+$0x14A30] =	vst v19;
	v10 =	vld.idx.msk [tilespmem:v63+s12+$0x0], $0xffff  }
0x26d: {  	s24 =	simm.s32 $0x8;
	s25 =	simm.s32 $0x1000;
	[tilespmem:s22+$0x14B70] =	vst v12;
	v12 =	vld.idx.msk [tilespmem:v0+s21+$0xC8C0 ss:$0x1], $0xffff;
	v16 =	vadd.f32 v16, v1  }
.LBB2_9:
0x26e: {  	s26 =	sadd.s32 $0x187, s24;
	v19 =	vld.idx.msk [tilespmem:v0+s23+$0xC780 ss:$0x1], $0xffff;
	[tilespmem:s21+$0x14AB0] =	vst v18;
	v15 =	vadd.f32 v15, v8;
	v8 =	vmov v3;
	v3 =	vmov v9  }
0x26f: {  	v13 =	vadd.f32 v13, v7;
	v7 =	vmovc v2;
	v2 =	vmov v11;
	v9 =	vmov s26;
	v18 =	vld.idx.msk [tilespmem:v0+s23+$0xC800 ss:$0x1], $0xffff;
	[tilespmem:s21+$0x14BB0] =	vst v16  }
0x270: {  	v14 =	vadd.f32 v14, v6;
	v6 =	vmov v1;
	v1 =	vmov v5;
	v11 =	vld.idx.msk [tilespmem:v0+s23+$0xC900 ss:$0x1], $0xffff;
	[tilespmem:s22+$0x14A70] =	vst v15  }
0x271: {  	v15 =	vld.idx.msk [tilespmem:v0+s21+$0xC7C0 ss:$0x1], $0xffff;
	[tilespmem:s22+$0x14AF0] =	vst v13  }
0x272: {  	v13 =	vadd.f32 v17, v10;
	v16 =	vld.idx.msk [tilespmem:v0+s21+$0xC840 ss:$0x1], $0xffff;
	[tilespmem:s22+$0x14BF0] =	vst v14;
	s22 =	smov.u32 s21;
	s21 =	smov.u32 s23  }
0x273: {  	v12 =	vadd.f32 v12, v4;
	v14 =	vld.idx.msk [tilespmem:v0+s22+$0xC940 ss:$0x1], $0xffff  }
0x274: {  	s23 =	sadd.s32 $0x184, s24;
	v5 =	vld.idx.msk [tilespmem:v9+s12+$0x0], $0xffff;
	v9 =	vadd.f32 v19, v3;
	[tilespmem:s21+$0x14B00] =	vst v13  }
0x275: {  	v13 =	vmov s23;
	v17 =	vadd.f32 v18, v2;
	v18 =	vld.idx.msk [tilespmem:v0+s21+$0xC890 ss:$0x1], $0xffff;
	[tilespmem:s22+$0x14B40] =	vst v12  }
0x276: {  	v12 =	vand.u32 $0xFFFFFFFC, v13;
	[tilespmem:s21+$0x14A00] =	vst v9;
	v9 =	vadd.f32 v11, v1;
	v11 =	vld.idx.msk [tilespmem:v0+s22+$0xC8D0 ss:$0x1], $0xffff  }
0x277: {  	v12 =	vbroadcast v12, $0x0;
	v15 =	vadd.f32 v15, v8;
	v13 =	vld.idx.msk [tilespmem:v0+s21+$0xC790 ss:$0x1], $0xffff;
	[tilespmem:s21+$0x14A80] =	vst v17  }
0x278: {  	v17 =	vld.idx.msk [tilespmem:v0+s21+$0xC810 ss:$0x1], $0xffff;
	[tilespmem:s21+$0x14B80] =	vst v9;
	v9 =	vadd.f32 v16, v7  }
0x279: {  	v14 =	vadd.f32 v14, v6;
	v16 =	vld.idx.msk [tilespmem:v0+s21+$0xC910 ss:$0x1], $0xffff;
	[tilespmem:s22+$0x14A40] =	vst v15  }
0x27a: {  	v15 =	vld.idx.msk [tilespmem:v0+s22+$0xC7D0 ss:$0x1], $0xffff;
	[tilespmem:s22+$0x14AC0] =	vst v9  }
0x27b: {  	v18 =	vadd.f32 v18, v10;
	v19 =	vld.idx.msk [tilespmem:v0+s22+$0xC850 ss:$0x1], $0xffff;
	[tilespmem:s22+$0x14BC0] =	vst v14  }
0x27c: {  	v11 =	vadd.f32 v11, v4;
	v14 =	vld.idx.msk [tilespmem:v0+s22+$0xC950 ss:$0x1], $0xffff  }
0x27d: {  	s23 =	sadd.s32 $0x185, s24;
	v9 =	vld.idx.msk [tilespmem:v12+s12+$0x0], $0xffff;
	v12 =	vadd.f32 v13, v3;
	[tilespmem:s21+$0x14B10] =	vst v18  }
0x27e: {  	v13 =	vmov s23;
	v17 =	vadd.f32 v17, v2;
	v18 =	vld.idx.msk [tilespmem:v0+s21+$0xC8A0 ss:$0x1], $0xffff;
	[tilespmem:s22+$0x14B50] =	vst v11  }
0x27f: {  	v11 =	vand.u32 $0xFFFFFFFD, v13;
	[tilespmem:s21+$0x14A10] =	vst v12;
	v12 =	vadd.f32 v16, v1;
	v13 =	vld.idx.msk [tilespmem:v0+s22+$0xC8E0 ss:$0x1], $0xffff  }
0x280: {  	v11 =	vbroadcast v11, $0x0;
	v15 =	vadd.f32 v15, v8;
	v16 =	vld.idx.msk [tilespmem:v0+s21+$0xC7A0 ss:$0x1], $0xffff;
	[tilespmem:s21+$0x14A90] =	vst v17  }
0x281: {  	v17 =	vld.idx.msk [tilespmem:v0+s21+$0xC820 ss:$0x1], $0xffff;
	[tilespmem:s21+$0x14B90] =	vst v12;
	v12 =	vadd.f32 v19, v7  }
0x282: {  	v14 =	vadd.f32 v14, v6;
	v19 =	vld.idx.msk [tilespmem:v0+s21+$0xC920 ss:$0x1], $0xffff;
	[tilespmem:s22+$0x14A50] =	vst v15  }
0x283: {  	v15 =	vld.idx.msk [tilespmem:v0+s22+$0xC7E0 ss:$0x1], $0xffff;
	[tilespmem:s22+$0x14AD0] =	vst v12  }
0x284: {  	v12 =	vadd.f32 v18, v10;
	v18 =	vld.idx.msk [tilespmem:v0+s22+$0xC860 ss:$0x1], $0xffff;
	[tilespmem:s22+$0x14BD0] =	vst v14  }
0x285: {  	v13 =	vadd.f32 v13, v4;
	v14 =	vld.idx.msk [tilespmem:v0+s22+$0xC960 ss:$0x1], $0xffff  }
0x286: {  	v16 =	vadd.f32 v16, v3;
	v11 =	vld.idx.msk [tilespmem:v11+s12+$0x0], $0xffff;
	[tilespmem:s21+$0x14B20] =	vst v12  }
0x287: {  	s23 =	sadd.s32 $0x186, s24;
	v12 =	vadd.f32 v17, v2;
	v17 =	vld.idx.msk [tilespmem:v0+s21+$0xC8B0 ss:$0x1], $0xffff;
	[tilespmem:s22+$0x14B60] =	vst v13  }
0x288: {  	s24 =	sadd.s32 $0x4, s24;
	v13 =	vmov s23;
	[tilespmem:s21+$0x14A20] =	vst v16;
	v16 =	vadd.f32 v19, v1;
	v19 =	vld.idx.msk [tilespmem:v0+s22+$0xC8F0 ss:$0x1], $0xffff  }
0x289: {  	p0 =	slt.u32 s24, $0x7C;
	v13 =	vand.u32 $0xFFFFFFFE, v13;
	v20 =	vld.idx.msk [tilespmem:v0+s21+$0xC7B0 ss:$0x1], $0xffff;
	[tilespmem:s21+$0x14AA0] =	vst v12;
	v12 =	vadd.f32 v15, v8  }
0x28a: {  	v21 =	vbroadcast v13, $0x0;
	v13 =	vadd.f32 v18, v7;
	v22 =	vld.idx.msk [tilespmem:v0+s21+$0xC830 ss:$0x1], $0xffff;
	[tilespmem:s21+$0x14BA0] =	vst v16  }
0x28b: {  	v16 =	vld.idx.msk [tilespmem:v0+s21+$0xC930 ss:$0x1], $0xffff;
	[tilespmem:s22+$0x14A60] =	vst v12;
	v12 =	vadd.f32 v14, v6  }
0x28c: {  	v15 =	vld.idx.msk [tilespmem:v0+s22+$0xC7F0 ss:$0x1], $0xffff;
	[tilespmem:s22+$0x14AE0] =	vst v13  }
.Ltmp3:
0x28d: {  	s25 =	sadd.s32 $0x800, s25;
	v18 =	vadd.f32 v17, v10;
	v13 =	vld.idx.msk [tilespmem:v0+s22+$0xC870 ss:$0x1], $0xffff;
	[tilespmem:s22+$0x14BE0] =	vst v12;
	(pc) =	sbr.rel @p0 .LBB2_9-.Ltmp3, $4  }
0x28e: {  	s23 =	sshra.s32 s25, $0x2;
	v12 =	vadd.f32 v19, v4;
	v4 =	vmov v10;
	v14 =	vld.idx.msk [tilespmem:v0+s22+$0xC970 ss:$0x1], $0xffff  }
0x28f: {  	v19 =	vadd.f32 v20, v3;
	v17 =	vld.idx.msk [tilespmem:v0+s23+$0xC880 ss:$0x1], $0xffff;
	[tilespmem:s21+$0x14B30] =	vst v18  }
0x290: {  	v18 =	vadd.f32 v22, v2;
	v10 =	vld.idx.msk [tilespmem:v21+s12+$0x0], $0xffff;
	[tilespmem:s22+$0x14B70] =	vst v12  }
0x291: {  	v16 =	vadd.f32 v16, v1;
	[tilespmem:s21+$0x14A30] =	vst v19;
	v12 =	vld.idx.msk [tilespmem:v0+s21+$0xC8C0 ss:$0x1], $0xffff  }
0x292: {  	_ =	sdelay $0x3  }
0x293: {  	v19 =	vld.idx.msk [tilespmem:v0+s23+$0xC780 ss:$0x1], $0xffff  }
0x294: {  	v20 =	vld.idx.msk [tilespmem:v0+s23+$0xC800 ss:$0x1], $0xffff  }
0x295: {  	v21 =	vld.idx.msk [tilespmem:v0+s23+$0xC900 ss:$0x1], $0xffff;
	_ =	sdelay $0x1  }
0x296: {  	v17 =	vadd.f32 v17, v10  }
0x297: {  	v19 =	vadd.f32 v19, v9  }
0x298: {  	[tilespmem:s23+$0x14B00] =	vst v17;
	v43 =	vadd.f32 v20, v11  }
0x299: {  	v45 =	vadd.f32 v21, v5;
	v44 =	vld.idx.msk [tilespmem:v0+s23+$0xC890 ss:$0x1], $0xffff;
	[tilespmem:s23+$0x14A00] =	vst v19  }
0x29a: {  	[tilespmem:s23+$0x14A80] =	vst v43;
	v46 =	vld.idx.msk [tilespmem:v0+s23+$0xC790 ss:$0x1], $0xffff  }
0x29b: {  	[tilespmem:s23+$0x14B80] =	vst v45;
	v17 =	vld.idx.msk [tilespmem:v0+s23+$0xC810 ss:$0x1], $0xffff  }
0x29c: {  	v19 =	vld.idx.msk [tilespmem:v0+s23+$0xC910 ss:$0x1], $0xffff;
	_ =	sdelay $0x1  }
0x29d: {  	v20 =	vadd.f32 v44, v10  }
0x29e: {  	v21 =	vadd.f32 v46, v9  }
0x29f: {  	[tilespmem:s23+$0x14B10] =	vst v20;
	v17 =	vadd.f32 v17, v11  }
0x2a0: {  	v19 =	vadd.f32 v19, v5;
	v20 =	vld.idx.msk [tilespmem:v0+s23+$0xC8A0 ss:$0x1], $0xffff;
	[tilespmem:s23+$0x14A10] =	vst v21  }
0x2a1: {  	[tilespmem:s23+$0x14A90] =	vst v17;
	v21 =	vld.idx.msk [tilespmem:v0+s23+$0xC7A0 ss:$0x1], $0xffff  }
0x2a2: {  	[tilespmem:s23+$0x14B90] =	vst v19;
	v17 =	vld.idx.msk [tilespmem:v0+s23+$0xC820 ss:$0x1], $0xffff  }
0x2a3: {  	v19 =	vld.idx.msk [tilespmem:v0+s23+$0xC920 ss:$0x1], $0xffff;
	_ =	sdelay $0x1  }
0x2a4: {  	v20 =	vadd.f32 v20, v10  }
0x2a5: {  	[tilespmem:s21+$0x14AB0] =	vst v18;
	v47 =	vadd.f32 v21, v9  }
0x2a6: {  	[tilespmem:s23+$0x14B20] =	vst v20;
	v17 =	vadd.f32 v17, v11  }
0x2a7: {  	v19 =	vadd.f32 v19, v5;
	v48 =	vld.idx.msk [tilespmem:v0+s23+$0xC8B0 ss:$0x1], $0xffff;
	[tilespmem:s23+$0x14A20] =	vst v47  }
0x2a8: {  	[tilespmem:s23+$0x14AA0] =	vst v17;
	v49 =	vld.idx.msk [tilespmem:v0+s23+$0xC7B0 ss:$0x1], $0xffff  }
0x2a9: {  	v8 =	vadd.f32 v15, v8;
	[tilespmem:s23+$0x14BA0] =	vst v19;
	v50 =	vld.idx.msk [tilespmem:v0+s23+$0xC830 ss:$0x1], $0xffff  }
0x2aa: {  	[tilespmem:s21+$0x14BB0] =	vst v16;
	v6 =	vadd.f32 v14, v6;
	v51 =	vld.idx.msk [tilespmem:v0+s23+$0xC930 ss:$0x1], $0xffff  }
0x2ab: {  	v52 =	vld.idx.msk [tilespmem:v0+s21+$0xC7C0 ss:$0x1], $0xffff;
	[tilespmem:s22+$0x14A70] =	vst v8;
	v12 =	vadd.f32 v12, v4  }
0x2ac: {  	v16 =	vld.idx.msk [tilespmem:v0+s21+$0xC940 ss:$0x1], $0xffff;
	[tilespmem:s22+$0x14BF0] =	vst v6;
	v53 =	vadd.f32 v48, v10  }
0x2ad: {  	v54 =	vld.idx.msk [tilespmem:v0+s21+$0xC840 ss:$0x1], $0xffff;
	[tilespmem:s21+$0x14B40] =	vst v12;
	v55 =	vadd.f32 v49, v9  }
0x2ae: {  	[tilespmem:s23+$0x14B30] =	vst v53;
	v56 =	vadd.f32 v50, v11  }
0x2af: {  	v7 =	vadd.f32 v13, v7;
	v13 =	vadd.f32 v51, v5;
	v57 =	vld.idx.msk [tilespmem:v0+s23+$0xC8C0 ss:$0x1], $0xffff;
	[tilespmem:s23+$0x14A30] =	vst v55  }
0x2b0: {  	v8 =	vadd.f32 v52, v3;
	[tilespmem:s23+$0x14AB0] =	vst v56;
	v58 =	vld.idx.msk [tilespmem:v0+s23+$0xC7C0 ss:$0x1], $0xffff  }
0x2b1: {  	v63 =	vadd.f32 v16, v1;
	[tilespmem:s23+$0x14BB0] =	vst v13;
	v59 =	vld.idx.msk [tilespmem:v0+s23+$0xC840 ss:$0x1], $0xffff  }
0x2b2: {  	v60 =	vadd.f32 v54, v2;
	[tilespmem:s21+$0x14A40] =	vst v8;
	v61 =	vld.idx.msk [tilespmem:v0+s23+$0xC940 ss:$0x1], $0xffff  }
0x2b3: {  	v62 =	vld.idx.msk [tilespmem:v0+s21+$0xC8D0 ss:$0x1], $0xffff;
	[tilespmem:s21+$0x14BC0] =	vst v63  }
0x2b4: {  	[tilespmem:s21+$0x14AC0] =	vst v60;
	v8 =	vld.idx.msk [tilespmem:v0+s21+$0xC950 ss:$0x1], $0xffff;
	v6 =	vadd.f32 v57, v10  }
0x2b5: {  	[tilespmem:s22+$0x14AF0] =	vst v7;
	v12 =	vld.idx.msk [tilespmem:v0+s21+$0xC850 ss:$0x1], $0xffff;
	v7 =	vadd.f32 v58, v9  }
0x2b6: {  	v20 =	vld.idx.msk [tilespmem:v0+s21+$0xC7D0 ss:$0x1], $0xffff;
	[tilespmem:s23+$0x14B40] =	vst v6;
	v21 =	vadd.f32 v59, v11  }
0x2b7: {  	v23 =	vadd.f32 v61, v5;
	v22 =	vld.idx.msk [tilespmem:v0+s23+$0xC8D0 ss:$0x1], $0xffff;
	[tilespmem:s23+$0x14A40] =	vst v7  }
0x2b8: {  	v24 =	vadd.f32 v62, v4;
	[tilespmem:s23+$0x14AC0] =	vst v21;
	v25 =	vld.idx.msk [tilespmem:v0+s23+$0xC7D0 ss:$0x1], $0xffff  }
0x2b9: {  	v30 =	vadd.f32 v8, v1;
	[tilespmem:s23+$0x14BC0] =	vst v23;
	v27 =	vld.idx.msk [tilespmem:v0+s23+$0xC850 ss:$0x1], $0xffff  }
0x2ba: {  	[tilespmem:s21+$0x14B50] =	vst v24;
	v28 =	vadd.f32 v12, v2;
	v29 =	vld.idx.msk [tilespmem:v0+s23+$0xC950 ss:$0x1], $0xffff  }
0x2bb: {  	v14 =	vld.idx.msk [tilespmem:v0+s21+$0xC8E0 ss:$0x1], $0xffff;
	[tilespmem:s21+$0x14BD0] =	vst v30;
	v26 =	vadd.f32 v20, v3  }
0x2bc: {  	[tilespmem:s21+$0x14AD0] =	vst v28;
	v35 =	vld.idx.msk [tilespmem:v0+s21+$0xC960 ss:$0x1], $0xffff;
	v32 =	vadd.f32 v22, v10  }
0x2bd: {  	v33 =	vld.idx.msk [tilespmem:v0+s21+$0xC860 ss:$0x1], $0xffff;
	[tilespmem:s21+$0x14A50] =	vst v26;
	v34 =	vadd.f32 v25, v9  }
0x2be: {  	v31 =	vld.idx.msk [tilespmem:v0+s21+$0xC7E0 ss:$0x1], $0xffff;
	[tilespmem:s23+$0x14B50] =	vst v32;
	v36 =	vadd.f32 v27, v11  }
0x2bf: {  	v38 =	vadd.f32 v29, v5;
	v37 =	vld.idx.msk [tilespmem:v0+s23+$0xC8E0 ss:$0x1], $0xffff;
	[tilespmem:s23+$0x14A50] =	vst v34  }
0x2c0: {  	v39 =	vadd.f32 v14, v4;
	[tilespmem:s23+$0x14AD0] =	vst v36;
	v40 =	vld.idx.msk [tilespmem:v0+s23+$0xC7E0 ss:$0x1], $0xffff  }
0x2c1: {  	v46 =	vadd.f32 v35, v1;
	[tilespmem:s23+$0x14BD0] =	vst v38;
	v42 =	vld.idx.msk [tilespmem:v0+s23+$0xC860 ss:$0x1], $0xffff  }
0x2c2: {  	[tilespmem:s21+$0x14B60] =	vst v39;
	v43 =	vadd.f32 v33, v2;
	v44 =	vld.idx.msk [tilespmem:v0+s23+$0xC960 ss:$0x1], $0xffff  }
0x2c3: {  	v45 =	vld.idx.msk [tilespmem:v0+s21+$0xC8F0 ss:$0x1], $0xffff;
	[tilespmem:s21+$0x14BE0] =	vst v46;
	v41 =	vadd.f32 v31, v3  }
0x2c4: {  	[tilespmem:s21+$0x14AE0] =	vst v43;
	v51 =	vld.idx.msk [tilespmem:v0+s21+$0xC970 ss:$0x1], $0xffff;
	v48 =	vadd.f32 v37, v10  }
0x2c5: {  	v49 =	vld.idx.msk [tilespmem:v0+s21+$0xC870 ss:$0x1], $0xffff;
	[tilespmem:s21+$0x14A60] =	vst v41;
	v50 =	vadd.f32 v40, v9  }
0x2c6: {  	v47 =	vld.idx.msk [tilespmem:v0+s21+$0xC7F0 ss:$0x1], $0xffff;
	[tilespmem:s23+$0x14B60] =	vst v48;
	v52 =	vadd.f32 v42, v11  }
0x2c7: {  	v54 =	vadd.f32 v44, v5;
	v53 =	vld.idx.msk [tilespmem:v0+s23+$0xC8F0 ss:$0x1], $0xffff;
	[tilespmem:s23+$0x14A60] =	vst v50  }
0x2c8: {  	v55 =	vadd.f32 v45, v4;
	[tilespmem:s23+$0x14AE0] =	vst v52;
	v56 =	vld.idx.msk [tilespmem:v0+s23+$0xC7F0 ss:$0x1], $0xffff  }
0x2c9: {  	v60 =	vadd.f32 v51, v1;
	[tilespmem:s23+$0x14BE0] =	vst v54;
	v6 =	vld.idx.msk [tilespmem:v0+s23+$0xC870 ss:$0x1], $0xffff  }
0x2ca: {  	[tilespmem:s21+$0x14B70] =	vst v55;
	v58 =	vadd.f32 v49, v2;
	v59 =	vld.idx.msk [tilespmem:v0+s23+$0xC970 ss:$0x1], $0xffff  }
0x2cb: {  	[tilespmem:s21+$0x14BF0] =	vst v60;
	v57 =	vadd.f32 v47, v3  }
0x2cc: {  	s19 =	sadd.s32 $0x1, s19;
	[tilespmem:s21+$0x14AF0] =	vst v58;
	v61 =	vadd.f32 v53, v10  }
0x2cd: {  	p0 =	sne.s32 s19, $0x10;
	[tilespmem:s21+$0x14A70] =	vst v57;
	v62 =	vadd.f32 v56, v9  }
.Ltmp4:
0x2ce: {  	[tilespmem:s23+$0x14B70] =	vst v61;
	v63 =	vadd.f32 v6, v11;
	(pc) =	sbr.rel @p0 .LBB2_2-.Ltmp4, $4  }
0x2cf: {  	v0 =	vadd.f32 v59, v5;
	[tilespmem:s23+$0x14A70] =	vst v62  }
0x2d0: {  	[tilespmem:s23+$0x14AF0] =	vst v63  }
0x2d1: {  	s20 =	sadd.s32 s20, s9;
	s17 =	sadd.s32 $0xFFFFFF80, s17;
	s18 =	sadd.s32 $0xFFFFFF80, s18;
	[tilespmem:s23+$0x14BF0] =	vst v0  }
0x2d2: {  	[hbm4b:s20+s4] =	stream.linear.scatter [tilespmem:s14], [sflag:$0x1], $0x4000, $0x38;
	[tilespmem:$0x18A00] =	vst v63  }
0x2d3: {  	s16 =	sadd.s32 $0x1, s16  }
0x2d4: {  	_ =	swait.ge [sflag:s15], $0x4000;
	p0 =	sne.s32 s16, s10  }
.Ltmp5:
0x2d5: {  	[sflag:s15] =	ssyncset.done $0x0;
	(pc) =	sbr.rel @p0 .LBB2_1-.Ltmp5, $4  }
0x2d6: {  	[sflag:s15] =	ssyncadd.s32 $0xFFFFC000  }
0x2d7: {  	_ =	swait.ge [sflag:s15], $0x4000  }
0x2d8: {  	[sflag:s15] =	ssyncset.done $0x0  }
0x2d9: {  	[sflag:s15] =	ssyncadd.s32 $0xFFFFC000  }
0x2da: {  	_ =	sfence.sel $0x180000  }
0x2db: {  	[bflag:$0x0] =	sbarrier.arrive $0xFFFF  }
0x2dc: {  	p0 =	sne.s32 s0, $0x0;
	_ =	strace $0x90000047  }
0x2dd: {  	s0 =	sadd.s32 @!p0 $0x100000, s1;
	[bflag:$0x2] =	sbarrier.arrive $0xFFFF  }
0x2de: {  	[sflag:s0] =	ssyncadd.tile.s32 @!p0 $0x1;
	_ =	shalt  }
.Lfunc_end2:
_tile_overlayer_lowered:
.L_overlay_start_2:
0x2df: {  	(tag) =	ssettag $0x2  }
0x2e0: {  	s0 =	rddreg [dreg:$0x0];
	s2 =	stileid.u32  }
0x2e1: {  	s1 =	rddreg [dreg:$0x1];
	p0 =	sne.s32 s2, $0x0  }
0x2e2: {  	s3 =	rddreg [dreg:$0x2];
	[bflag:$0x3] =	sbarrier.arrive $0xFFFF;
	s2 =	simm.s32 @!p0 $0x1C02  }
0x2e3: {  	[timem:s3], [sflag:s2] =	dma.local @!p0 [hbm:s0], s1  }
0x2e4: {  	s0 =	simm.s32 @!p0 $0x2  }
0x2e5: {  	_ =	swait.ge @!p0 [sflag:s0], s1  }
0x2e6: {  	s1 =	ssub.s32 @!p0 $0x0, s1;
	[sflag:s0] =	ssyncset.done @!p0 $0x0  }
0x2e7: {  	[sflag:s0] =	ssyncadd.s32 @!p0 s1  }
0x2e8: {  	[bflag:$0x3] =	sbarrier.arrive $0xFFFF  }
0x2e9: {  	_ =	shalt  }

</sc_bundles>
